<compile_context>
chip_gen: v7x
topology: tpu7x:2x2x1
jax: 0.10.2.dev20260603
libtpu: 0.0.44.dev20260713+nightly
codegen_flags: <defaults>
</compile_context>

<pallas_src>
import functools

import jax
import jax.numpy as jnp
from jax.experimental import pallas as pl
from jax.experimental.pallas import tpu as pltpu
from jax.experimental.pallas import tpu_sc as plsc

_E = 8
_B = 2048
_I = 4
_NPIX = 8 * 128 * 128
_ROWS = _NPIX // 128
_NT = 32
_TOTAL = _I * _NPIX
_CHUNK = _TOTAL // _NT
_HW = _I * 2 * _B


def _stage1_body(em_ref, mf_ref, ign_ref, idx_ref, scal_ref):
    em = em_ref[...]
    emb = em[0:_E]
    bw = em[_E:2 * _E]
    seed = em[2 * _E]
    mf = mf_ref[...].astype(jnp.float32)
    ign = ign_ref[...].astype(jnp.float32)

    bgf = 1.0 - jnp.max(mf, axis=0)
    bg_cnt = jnp.sum(bgf)
    seediness = jnp.sum(bgf * (1.0 - ign) * seed * seed) / bg_cnt

    expbw = jnp.exp(bw) * 10.0
    bw2 = bw * bw
    bsl_total = 0.0
    for n in range(_I):
        m = mf[n]
        cnt = jnp.sum(m)
        mb = m[None]
        sum_emb = jnp.sum(emb * mb, axis=(1, 2))
        sum_bw = jnp.sum(bw * mb, axis=(1, 2))
        sum_bw2 = jnp.sum(bw2 * mb, axis=(1, 2))
        sum_ebw = jnp.sum(expbw * mb, axis=(1, 2))
        center = sum_emb / cnt
        mean_bw = sum_ebw / cnt
        mbw = sum_bw / cnt
        bsl_total = bsl_total + jnp.sum(sum_bw2 - cnt * mbw * mbw) / (cnt * float(_E))
        dist2 = jnp.sum(
            (emb - center[:, None, None]) ** 2 * mean_bw[:, None, None], axis=0)
        probs = jnp.exp(-0.5 * dist2)
        seediness = seediness + jnp.sum(m * (seed - probs) ** 2) / cnt
        e = jnp.where(m > 0.5, 2.0 - 2.0 * probs, 2.0 * probs)
        q = jnp.clip(jnp.floor(e * (0.5 * _B)), 0.0, float(_B - 1)).astype(jnp.int32)
        lab = m.astype(jnp.int32)
        idx_ref[n] = (n * 2 * _B) + lab * _B + q
    partial = 10.0 * (bsl_total / float(_I)) + seediness / float(_I + 1)
    scal_ref[...] = jnp.full((8, 128), partial, dtype=jnp.float32)


def _sc_hist_body(idx_hbm, out_hbm, idx_v, hist_v):
    c = jax.lax.axis_index("c")
    s = jax.lax.axis_index("s")
    wid = s * 2 + c
    base = wid * _CHUNK
    pltpu.sync_copy(idx_hbm.at[pl.ds(base, _CHUNK)], idx_v)

    zero16 = jnp.zeros((16,), jnp.float32)

    def zbody(i, carry):
        hist_v[pl.ds(pl.multiple_of(i * 16, 16), 16)] = zero16
        return carry

    jax.lax.fori_loop(0, _HW // 16, zbody, 0, unroll=8)

    ones16 = jnp.ones((16,), jnp.float32)

    @plsc.parallel_loop(0, _CHUNK // 16, unroll=8)
    def _scatter(i):
        off = pl.multiple_of(i * 16, 16)
        ix = idx_v[pl.ds(off, 16)]
        plsc.addupdate_scatter(hist_v, [ix], ones16)

    pltpu.sync_copy(hist_v, out_hbm.at[wid])


@functools.lru_cache(maxsize=1)
def _get_sc_hist():
    return functools.partial(
        pl.kernel,
        mesh=plsc.VectorSubcoreMesh(core_axis_name="c", subcore_axis_name="s"),
        out_type=jax.ShapeDtypeStruct((_NT, _HW), jnp.float32),
        scratch_types=[
            pltpu.VMEM((_CHUNK,), jnp.int32),
            pltpu.VMEM((_HW,), jnp.float32),
        ],
        compiler_params=pltpu.CompilerParams(needs_layout_passes=False),
    )(_sc_hist_body)


def _stage3_body(hist_ref, scal_ref, out_ref):
    h = hist_ref[...]
    hs = jnp.sum(h, axis=0)
    ii = jax.lax.broadcasted_iota(jnp.int32, (128, 128), 0)
    jj = jax.lax.broadcasted_iota(jnp.int32, (128, 128), 1)
    tri128 = (ii <= jj).astype(jnp.float32)
    i2 = jax.lax.broadcasted_iota(jnp.int32, (16, 16), 0)
    j2 = jax.lax.broadcasted_iota(jnp.int32, (16, 16), 1)
    tri16 = (i2 < j2).astype(jnp.float32)

    def csum(x):
        within = jnp.dot(x, tri128, preferred_element_type=jnp.float32)
        rs = jnp.sum(x, axis=1)[None, :]
        roff = jnp.dot(rs, tri16, preferred_element_type=jnp.float32)
        return within + roff[0][:, None]

    r16 = jax.lax.broadcasted_iota(jnp.int32, (16, 128), 0)
    c128 = jax.lax.broadcasted_iota(jnp.int32, (16, 128), 1)
    tval = ((r16 * 128 + c128).astype(jnp.float32) + 0.5) * (2.0 / _B)

    lov = 0.0
    for n in range(_I):
        r = n * 32
        nneg = hs[r:r + 16]
        npos = hs[r + 16:r + 32]
        p_tot = jnp.sum(npos)
        f_tot = jnp.sum(nneg)
        cf = f_tot - csum(nneg)
        cs = p_tot - csum(npos)
        pos_term = jnp.sum(tval * npos / (p_tot + cf))
        denom = (p_tot + cf) * (p_tot + cf + nneg)
        neg_term = jnp.sum(tval * (p_tot - cs - npos) * nneg / denom)
        lov = lov + pos_term + neg_term
    total = lov / float(_I) + jnp.mean(scal_ref[...])
    out_ref[...] = jnp.full((1, 128), total, dtype=jnp.float32)


def kernel(embedding_map, masks, ignore_masks):
    em = embedding_map[0].reshape(17, _ROWS, 128)
    mf = masks.reshape(_I, _ROWS, 128)
    gf = ignore_masks.reshape(_ROWS, 128)
    idx, scal = pl.pallas_call(
        _stage1_body,
        out_shape=[
            jax.ShapeDtypeStruct((_I, _ROWS, 128), jnp.int32),
            jax.ShapeDtypeStruct((8, 128), jnp.float32),
        ],
    )(em, mf, gf)
    hists = _get_sc_hist()(idx.reshape(_TOTAL))
    out = pl.pallas_call(
        _stage3_body,
        out_shape=jax.ShapeDtypeStruct((1, 128), jnp.float32),
    )(hists.reshape(_NT, 128, 128), scal)
    return out[0, 0]

# --- scband reference (transcript-rebuilt; emitter-appended) ---
"""Pipeline reference for scband-embedding-loss-70145405878948 (READ-ONLY COPY).

The authoritative reference and input builder live on the scoring server;
editing this copy changes nothing except your own understanding.
"""

import jax, jax.numpy as jnp
import numpy as np

EMBEDDING_SIZE = 8
W_LOVASZ = 1.0
W_VAR_SMOOTH = 10.0
W_SEED = 1.0
W_TOTAL = 1.0
N, C, T, H, W_ = 1, 17, 8, 128, 128
I = 4


def setup_inputs(seed: int = 0) -> dict:
    key = jax.random.key(seed)
    k1, k2, k3 = jax.random.split(key, 3)
    embedding_map = jax.random.normal(k1, (N, C, T, H, W_), dtype=jnp.float32)
    masks = jax.random.randint(k2, (I, T, H, W_), 0, 2).astype(bool)
    ignore_masks = jax.random.randint(k3, (T, H, W_), 0, 2).astype(bool)
    return {"embedding_map": embedding_map, "masks": masks, "ignore_masks": ignore_masks}


def _lovasz_grad(gt_sorted):
    gts = jnp.sum(gt_sorted)
    cs = jnp.cumsum(gt_sorted)
    intersection = gts - cs
    union = gts + jnp.cumsum(1.0 - gt_sorted)
    jaccard = 1.0 - intersection / union
    jaccard = jnp.concatenate([jaccard[:1], jaccard[1:] - jaccard[:-1]])
    return jaccard


def _lovasz_hinge_flat(logits, labels):
    signs = 2.0 * labels - 1.0
    errors = 1.0 - logits * signs
    perm = jnp.argsort(-errors)
    errors_sorted = errors[perm]
    gt_sorted = labels[perm]
    grad = jax.lax.stop_gradient(_lovasz_grad(gt_sorted))
    return jnp.sum(jax.nn.relu(errors_sorted) * grad)


def _forward(embedding_map, masks, ignore_masks, masks_f):
    em = jnp.transpose(embedding_map, (0, 2, 3, 4, 1))[0]  # [T,H,W,C]
    emb = em[..., :EMBEDDING_SIZE]
    bw = em[..., EMBEDDING_SIZE:2 * EMBEDDING_SIZE]
    seed = em[..., 2 * EMBEDDING_SIZE:]
    total_instances = masks.shape[0]
    # background seediness loss with ignore mask
    bg_mask = ~masks.any(axis=0)  # [T,H,W]
    bg_cnt = jnp.sum(bg_mask).astype(jnp.float32)
    bg_loss = jnp.where(bg_mask & ~ignore_masks, seed[..., 0] ** 2, 0.0)
    seediness_loss = jnp.sum(bg_loss) / bg_cnt
    # bandwidth smoothness (on raw bandwidths, before exp)
    bsl = 0.0
    for n in range(total_instances):
        m = masks[n][..., None]  # [T,H,W,1]
        cnt = jnp.sum(masks[n]).astype(jnp.float32)
        mb = jnp.sum(jnp.where(m, bw, 0.0), axis=(0, 1, 2)) / cnt  # [8]
        bsl = bsl + jnp.sum(jnp.where(m, (mb - bw) ** 2, 0.0)) / (cnt * bw.shape[-1])
    bandwidth_smoothness_loss = bsl / float(total_instances)
    lovasz_loss = 0.0
    for n in range(total_instances):
        m = masks[n][..., None]  # [T,H,W,1]
        cnt = jnp.sum(masks[n]).astype(jnp.float32)
        inst_bw = jnp.exp(bw) * 10.0
        center = jnp.sum(jnp.where(m, emb, 0.0), axis=(0, 1, 2)) / cnt  # [8]
        mean_bw = jnp.sum(jnp.where(m, inst_bw, 0.0), axis=(0, 1, 2)) / cnt  # [8]
        probs = jnp.exp(-0.5 * jnp.sum((emb - center) ** 2 * mean_bw, axis=-1))  # [T,H,W]
        logits = probs * 2.0 - 1.0
        lovasz_loss = lovasz_loss + _lovasz_hinge_flat(logits.reshape(-1), masks_f[n].reshape(-1))
        inst_probs = jax.lax.stop_gradient(probs)  # detach()
        seediness_loss = seediness_loss + jnp.sum(
            jnp.where(masks[n], (seed[..., 0] - inst_probs) ** 2, 0.0)) / cnt
    lovasz_loss = lovasz_loss / float(total_instances)
    bandwidth_smoothness_loss = bandwidth_smoothness_loss / float(embedding_map.shape[0])
    seediness_loss = seediness_loss / float(total_instances + 1)
    total_loss = (lovasz_loss * W_LOVASZ
                  + bandwidth_smoothness_loss * W_VAR_SMOOTH
                  + seediness_loss * W_SEED)
    return total_loss * W_TOTAL


def reference(embedding_map, masks, ignore_masks):
    masks_f = masks.astype(jnp.float32)
    return _forward(embedding_map, masks, ignore_masks, masks_f)

if __name__ == "__main__":
    import jax
    _d = setup_inputs()
    print(jax.jit(kernel)(*tuple(_d.values())))

</pallas_src>

<mosaic_0001>
#map = affine_map<(d0, d1) -> (0)>
#map1 = affine_map<(d0, d1) -> (0, 0)>
module attributes {stable_mosaic.version = 14 : i64} {
  func.func @_sc_hist_body(%arg0: i32, %arg1: i32, %arg2: memref<524288xi32, #tpu.memory_space<hbm>>, %arg3: memref<32x16384xf32, #tpu.memory_space<hbm>>, %arg4: memref<16384xi32, #tpu.memory_space<vmem>>, %arg5: memref<16384xf32, #tpu.memory_space<vmem>>) attributes {dimension_semantics = [#tpu.dimension_semantics<core_parallel>, #tpu.dimension_semantics<subcore_parallel>], iteration_bounds = array<i64: 2, 16>, scalar_prefetch = 0 : i64, scratch_operands = 2 : i64, tpu.core_type = #tpu.core_type<sc_vector_subcore>, window_params = [{transform_indices = #map}, {transform_indices = #map1}]} {
    %mul3A = arith.constant 2 : i32
    %mul3A_0 = arith.muli %arg1, %mul3A : i32
    %add3A = arith.addi %mul3A_0, %arg0 : i32
    %mul3A_1 = arith.constant 16384 : i32
    %mul3A_2 = arith.muli %add3A, %mul3A_1 : i32
    "tpu.region"() ({
      %run_scoped3A = tpu.sem_alloc : memref<!tpu.dma_semaphore, #tpu.memory_space<semaphore_mem>>
      %dma_start3A = tpu.memref_slice %arg2[%mul3A_2] : memref<524288xi32, #tpu.memory_space<hbm>> -> memref<16384xi32, #tpu.memory_space<hbm>>
      %dma_start3A_13 = tpu.memref_slice %arg2[%mul3A_2] : memref<524288xi32, #tpu.memory_space<hbm>> -> memref<16384xi32, #tpu.memory_space<hbm>>
      tpu.enqueue_dma source(%dma_start3A_13 : memref<16384xi32, #tpu.memory_space<hbm>>) target(%arg4 : memref<16384xi32, #tpu.memory_space<vmem>>) target_semaphore(%run_scoped3A : memref<!tpu.dma_semaphore, #tpu.memory_space<semaphore_mem>>)
      %dma_wait3A = tpu.memref_slice %arg2[%mul3A_2] : memref<524288xi32, #tpu.memory_space<hbm>> -> memref<16384xi32, #tpu.memory_space<hbm>>
      %dma_wait3A_14 = tpu.memref_slice %arg2[%mul3A_2] : memref<524288xi32, #tpu.memory_space<hbm>> -> memref<16384xi32, #tpu.memory_space<hbm>>
      tpu.wait_dma2 semaphore(%run_scoped3A : memref<!tpu.dma_semaphore, #tpu.memory_space<semaphore_mem>>) src(%dma_wait3A_14 : memref<16384xi32, #tpu.memory_space<hbm>>) dst(%arg4 : memref<16384xi32, #tpu.memory_space<vmem>>)
      tpu.yield
    }) : () -> ()
    %broadcast_in_dim3A = arith.constant 0.000000e+00 : f32
    %broadcast_in_dim3A_3 = vector.broadcast %broadcast_in_dim3A : f32 to vector<16xf32>
    %scan3A = arith.constant 0 : i32
    %scan3A_4 = arith.constant 0 : i32
    %scan3A_5 = arith.constant 1024 : i32
    %scan3A_6 = arith.addi %scan3A_4, %scan3A_5 : i32
    %scan3A_7 = arith.constant 8 : i32
    scf.for %scan3A_13 = %scan3A_4 to %scan3A_6 step %scan3A_7  : i32 {
      %mul3A_14 = arith.constant 16 : i32
      %mul3A_15 = arith.muli %scan3A_13, %mul3A_14 : i32
      %multiple_of3A = tpu.assume_multiple %mul3A_15, 16 : i32
      %swap3A = arith.index_cast %multiple_of3A : i32 to index
      %swap3A_16 = tpu.vector_load %arg5[%swap3A] {strides = array<i32>} : memref<16384xf32, #tpu.memory_space<vmem>>, vector<16xf32>,
      tpu.vector_store %arg5[%swap3A], %broadcast_in_dim3A_3 {strides = array<i32>} : memref<16384xf32, #tpu.memory_space<vmem>>, vector<16xf32>,
      %scan3A_17 = arith.constant 1 : i32
      %scan3A_18 = arith.addi %scan3A_13, %scan3A_17 : i32
      %mul3A_19 = arith.constant 16 : i32
      %mul3A_20 = arith.muli %scan3A_18, %mul3A_19 : i32
      %multiple_of3A_21 = tpu.assume_multiple %mul3A_20, 16 : i32
      %swap3A_22 = arith.index_cast %multiple_of3A_21 : i32 to index
      %swap3A_23 = tpu.vector_load %arg5[%swap3A_22] {strides = array<i32>} : memref<16384xf32, #tpu.memory_space<vmem>>, vector<16xf32>,
      tpu.vector_store %arg5[%swap3A_22], %broadcast_in_dim3A_3 {strides = array<i32>} : memref<16384xf32, #tpu.memory_space<vmem>>, vector<16xf32>,
      %scan3A_24 = arith.constant 2 : i32
      %scan3A_25 = arith.addi %scan3A_13, %scan3A_24 : i32
      %mul3A_26 = arith.constant 16 : i32
      %mul3A_27 = arith.muli %scan3A_25, %mul3A_26 : i32
      %multiple_of3A_28 = tpu.assume_multiple %mul3A_27, 16 : i32
      %swap3A_29 = arith.index_cast %multiple_of3A_28 : i32 to index
      %swap3A_30 = tpu.vector_load %arg5[%swap3A_29] {strides = array<i32>} : memref<16384xf32, #tpu.memory_space<vmem>>, vector<16xf32>,
      tpu.vector_store %arg5[%swap3A_29], %broadcast_in_dim3A_3 {strides = array<i32>} : memref<16384xf32, #tpu.memory_space<vmem>>, vector<16xf32>,
      %scan3A_31 = arith.constant 3 : i32
      %scan3A_32 = arith.addi %scan3A_13, %scan3A_31 : i32
      %mul3A_33 = arith.constant 16 : i32
      %mul3A_34 = arith.muli %scan3A_32, %mul3A_33 : i32
      %multiple_of3A_35 = tpu.assume_multiple %mul3A_34, 16 : i32
      %swap3A_36 = arith.index_cast %multiple_of3A_35 : i32 to index
      %swap3A_37 = tpu.vector_load %arg5[%swap3A_36] {strides = array<i32>} : memref<16384xf32, #tpu.memory_space<vmem>>, vector<16xf32>,
      tpu.vector_store %arg5[%swap3A_36], %broadcast_in_dim3A_3 {strides = array<i32>} : memref<16384xf32, #tpu.memory_space<vmem>>, vector<16xf32>,
      %scan3A_38 = arith.constant 4 : i32
      %scan3A_39 = arith.addi %scan3A_13, %scan3A_38 : i32
      %mul3A_40 = arith.constant 16 : i32
      %mul3A_41 = arith.muli %scan3A_39, %mul3A_40 : i32
      %multiple_of3A_42 = tpu.assume_multiple %mul3A_41, 16 : i32
      %swap3A_43 = arith.index_cast %multiple_of3A_42 : i32 to index
      %swap3A_44 = tpu.vector_load %arg5[%swap3A_43] {strides = array<i32>} : memref<16384xf32, #tpu.memory_space<vmem>>, vector<16xf32>,
      tpu.vector_store %arg5[%swap3A_43], %broadcast_in_dim3A_3 {strides = array<i32>} : memref<16384xf32, #tpu.memory_space<vmem>>, vector<16xf32>,
      %scan3A_45 = arith.constant 5 : i32
      %scan3A_46 = arith.addi %scan3A_13, %scan3A_45 : i32
      %mul3A_47 = arith.constant 16 : i32
      %mul3A_48 = arith.muli %scan3A_46, %mul3A_47 : i32
      %multiple_of3A_49 = tpu.assume_multiple %mul3A_48, 16 : i32
      %swap3A_50 = arith.index_cast %multiple_of3A_49 : i32 to index
      %swap3A_51 = tpu.vector_load %arg5[%swap3A_50] {strides = array<i32>} : memref<16384xf32, #tpu.memory_space<vmem>>, vector<16xf32>,
      tpu.vector_store %arg5[%swap3A_50], %broadcast_in_dim3A_3 {strides = array<i32>} : memref<16384xf32, #tpu.memory_space<vmem>>, vector<16xf32>,
      %scan3A_52 = arith.constant 6 : i32
      %scan3A_53 = arith.addi %scan3A_13, %scan3A_52 : i32
      %mul3A_54 = arith.constant 16 : i32
      %mul3A_55 = arith.muli %scan3A_53, %mul3A_54 : i32
      %multiple_of3A_56 = tpu.assume_multiple %mul3A_55, 16 : i32
      %swap3A_57 = arith.index_cast %multiple_of3A_56 : i32 to index
      %swap3A_58 = tpu.vector_load %arg5[%swap3A_57] {strides = array<i32>} : memref<16384xf32, #tpu.memory_space<vmem>>, vector<16xf32>,
      tpu.vector_store %arg5[%swap3A_57], %broadcast_in_dim3A_3 {strides = array<i32>} : memref<16384xf32, #tpu.memory_space<vmem>>, vector<16xf32>,
      %scan3A_59 = arith.constant 7 : i32
      %scan3A_60 = arith.addi %scan3A_13, %scan3A_59 : i32
      %mul3A_61 = arith.constant 16 : i32
      %mul3A_62 = arith.muli %scan3A_60, %mul3A_61 : i32
      %multiple_of3A_63 = tpu.assume_multiple %mul3A_62, 16 : i32
      %swap3A_64 = arith.index_cast %multiple_of3A_63 : i32 to index
      %swap3A_65 = tpu.vector_load %arg5[%swap3A_64] {strides = array<i32>} : memref<16384xf32, #tpu.memory_space<vmem>>, vector<16xf32>,
      tpu.vector_store %arg5[%swap3A_64], %broadcast_in_dim3A_3 {strides = array<i32>} : memref<16384xf32, #tpu.memory_space<vmem>>, vector<16xf32>,
    }
    %scan3A_8 = arith.constant 1024 : i32
    %broadcast_in_dim3A_9 = arith.constant 1.000000e+00 : f32
    %broadcast_in_dim3A_10 = vector.broadcast %broadcast_in_dim3A_9 : f32 to vector<16xf32>
    %parallel_loop3A = arith.constant 0 : i32
    %parallel_loop3A_11 = arith.constant 1024 : i32
    %parallel_loop3A_12 = arith.constant 1 : i32
    scf.for %parallel_loop3A_13 = %parallel_loop3A to %parallel_loop3A_11 step %parallel_loop3A_12  : i32 {
      %parallel_loop3A_14 = arith.constant 16 : i32
      %parallel_loop3A_15 = arith.muli %parallel_loop3A_13, %parallel_loop3A_14 : i32
      %parallel_loop3A_16 = tpu.assume_multiple %parallel_loop3A_15, 16 : i32
      %parallel_loop3A_17 = arith.index_cast %parallel_loop3A_16 : i32 to index
      %parallel_loop3A_18 = tpu.vector_load %arg4[%parallel_loop3A_17] {strides = array<i32>} : memref<16384xi32, #tpu.memory_space<vmem>>, vector<16xi32>,
      tpu.vector_store_idx %arg5[%parallel_loop3A_18], %broadcast_in_dim3A_10 {add = true} : memref<16384xf32, #tpu.memory_space<vmem>>[vector<16xi32>], vector<16xf32>,
    } {sc.loop_unroll_factor = 8 : i64, sc.parallel_access}
    "tpu.region"() ({
      %run_scoped3A = tpu.sem_alloc : memref<!tpu.dma_semaphore, #tpu.memory_space<semaphore_mem>>
      %dma_start3A = arith.constant 0 : i32
      %dma_start3A_13 = tpu.memref_slice %arg3[%add3A, %dma_start3A] : memref<32x16384xf32, #tpu.memory_space<hbm>> -> memref<1x16384xf32, #tpu.memory_space<hbm>>
      %dma_start3A_14 = tpu.memref_squeeze %dma_start3A_13 : memref<1x16384xf32, #tpu.memory_space<hbm>> -> memref<16384xf32, #tpu.memory_space<hbm>>
      %dma_start3A_15 = arith.constant 0 : i32
      %dma_start3A_16 = tpu.memref_slice %arg3[%add3A, %dma_start3A_15] : memref<32x16384xf32, #tpu.memory_space<hbm>> -> memref<1x16384xf32, #tpu.memory_space<hbm>>
      %dma_start3A_17 = tpu.memref_squeeze %dma_start3A_16 : memref<1x16384xf32, #tpu.memory_space<hbm>> -> memref<16384xf32, #tpu.memory_space<hbm>>
      tpu.enqueue_dma source(%arg5 : memref<16384xf32, #tpu.memory_space<vmem>>) target(%dma_start3A_17 : memref<16384xf32, #tpu.memory_space<hbm>>) target_semaphore(%run_scoped3A : memref<!tpu.dma_semaphore, #tpu.memory_space<semaphore_mem>>)
      %dma_wait3A = arith.constant 0 : i32
      %dma_wait3A_18 = tpu.memref_slice %arg3[%add3A, %dma_wait3A] : memref<32x16384xf32, #tpu.memory_space<hbm>> -> memref<1x16384xf32, #tpu.memory_space<hbm>>
      %dma_wait3A_19 = tpu.memref_squeeze %dma_wait3A_18 : memref<1x16384xf32, #tpu.memory_space<hbm>> -> memref<16384xf32, #tpu.memory_space<hbm>>
      %dma_wait3A_20 = arith.constant 0 : i32
      %dma_wait3A_21 = tpu.memref_slice %arg3[%add3A, %dma_wait3A_20] : memref<32x16384xf32, #tpu.memory_space<hbm>> -> memref<1x16384xf32, #tpu.memory_space<hbm>>
      %dma_wait3A_22 = tpu.memref_squeeze %dma_wait3A_21 : memref<1x16384xf32, #tpu.memory_space<hbm>> -> memref<16384xf32, #tpu.memory_space<hbm>>
      tpu.wait_dma2 semaphore(%run_scoped3A : memref<!tpu.dma_semaphore, #tpu.memory_space<semaphore_mem>>) src(%arg5 : memref<16384xf32, #tpu.memory_space<vmem>>) dst(%dma_wait3A_22 : memref<16384xf32, #tpu.memory_space<hbm>>)
      tpu.yield
    }) : () -> ()
    return
  }
}

module attributes {stable_mosaic.version = 14 : i64} {
  func.func @_stage1_body(%arg0: memref<17x1024x128xf32, #tpu.memory_space<vmem>>, %arg1: memref<4x1024x128xi32, #tpu.memory_space<vmem>>, %arg2: memref<1024x128xi32, #tpu.memory_space<vmem>>, %arg3: memref<4x1024x128xi32, #tpu.memory_space<vmem>>, %arg4: memref<8x128xf32, #tpu.memory_space<vmem>>) attributes {dimension_semantics = [], scalar_prefetch = 0 : i64, scratch_operands = 0 : i64, tpu.core_type = #tpu.core_type<tc>} {
    %get3A = arith.constant 0 : index
    %get3A_0 = arith.constant 0 : index
    %get3A_1 = arith.constant 0 : index
    %get3A_2 = vector.load %arg0[%get3A, %get3A_0, %get3A_1] : memref<17x1024x128xf32, #tpu.memory_space<vmem>>, vector<17x1024x128xf32>
    %slice3A = vector.extract_strided_slice %get3A_2 {offsets = [0, 0, 0], sizes = [8, 1024, 128], strides = [1, 1, 1]} : vector<17x1024x128xf32> to vector<8x1024x128xf32>
    %slice3A_3 = vector.extract_strided_slice %get3A_2 {offsets = [8, 0, 0], sizes = [8, 1024, 128], strides = [1, 1, 1]} : vector<17x1024x128xf32> to vector<8x1024x128xf32>
    %slice3A_4 = vector.extract_strided_slice %get3A_2 {offsets = [16, 0, 0], sizes = [1, 1024, 128], strides = [1, 1, 1]} : vector<17x1024x128xf32> to vector<1x1024x128xf32>
    %squeeze3A = vector.shape_cast %slice3A_4 : vector<1x1024x128xf32> to vector<1024x128xf32>
    %get3A_5 = arith.constant 0 : index
    %get3A_6 = arith.constant 0 : index
    %get3A_7 = arith.constant 0 : index
    %get3A_8 = vector.load %arg1[%get3A_5, %get3A_6, %get3A_7] : memref<4x1024x128xi32, #tpu.memory_space<vmem>>, vector<4x1024x128xi32>
    %get3A_9 = arith.constant dense<0> : vector<4x1024x128xi32>
    %get3A_10 = arith.cmpi ne, %get3A_8, %get3A_9 : vector<4x1024x128xi32>
    %convert_element_type3A = arith.extui %get3A_10 : vector<4x1024x128xi1> to vector<4x1024x128xi32>
    %convert_element_type3A_11 = arith.sitofp %convert_element_type3A : vector<4x1024x128xi32> to vector<4x1024x128xf32>
    %get3A_12 = arith.constant 0 : index
    %get3A_13 = arith.constant 0 : index
    %get3A_14 = vector.load %arg2[%get3A_12, %get3A_13] : memref<1024x128xi32, #tpu.memory_space<vmem>>, vector<1024x128xi32>
    %get3A_15 = arith.constant dense<0> : vector<1024x128xi32>
    %get3A_16 = arith.cmpi ne, %get3A_14, %get3A_15 : vector<1024x128xi32>
    %convert_element_type3A_17 = arith.extui %get3A_16 : vector<1024x128xi1> to vector<1024x128xi32>
    %convert_element_type3A_18 = arith.sitofp %convert_element_type3A_17 : vector<1024x128xi32> to vector<1024x128xf32>
    %reduce_max3A = arith.constant dense<0xFF800000> : vector<1024x128xf32>
    %reduce_max3A_19 = vector.multi_reduction <maximumf>, %convert_element_type3A_11, %reduce_max3A [0] : vector<4x1024x128xf32> to vector<1024x128xf32>
    %sub3A = arith.constant 1.000000e+00 : f32
    %sub3A_20 = vector.broadcast %sub3A : f32 to vector<1024x128xf32>
    %sub3A_21 = arith.subf %sub3A_20, %reduce_max3A_19 : vector<1024x128xf32>
    %reduce_sum3A = vector.shape_cast %sub3A_21 : vector<1024x128xf32> to vector<1x1024x128xf32>
    %reduce_sum3A_22 = arith.constant dense<0.000000e+00> : vector<1xf32>
    %reduce_sum3A_23 = vector.multi_reduction <add>, %reduce_sum3A, %reduce_sum3A_22 [1, 2] : vector<1x1024x128xf32> to vector<1xf32>
    %reduce_sum3A_24 = vector.shape_cast %reduce_sum3A_23 : vector<1xf32> to vector<1x1x1xf32>
    %reduce_sum3A_25 = vector.extract %reduce_sum3A_24[0, 0, 0] : f32 from vector<1x1x1xf32>
    %sub3A_26 = arith.constant 1.000000e+00 : f32
    %sub3A_27 = vector.broadcast %sub3A_26 : f32 to vector<1024x128xf32>
    %sub3A_28 = arith.subf %sub3A_27, %convert_element_type3A_18 : vector<1024x128xf32>
    %mul3A = arith.mulf %sub3A_21, %sub3A_28 : vector<1024x128xf32>
    %mul3A_29 = arith.mulf %mul3A, %squeeze3A : vector<1024x128xf32>
    %mul3A_30 = arith.mulf %mul3A_29, %squeeze3A : vector<1024x128xf32>
    %reduce_sum3A_31 = vector.shape_cast %mul3A_30 : vector<1024x128xf32> to vector<1x1024x128xf32>
    %reduce_sum3A_32 = arith.constant dense<0.000000e+00> : vector<1xf32>
    %reduce_sum3A_33 = vector.multi_reduction <add>, %reduce_sum3A_31, %reduce_sum3A_32 [1, 2] : vector<1x1024x128xf32> to vector<1xf32>
    %reduce_sum3A_34 = vector.shape_cast %reduce_sum3A_33 : vector<1xf32> to vector<1x1x1xf32>
    %reduce_sum3A_35 = vector.extract %reduce_sum3A_34[0, 0, 0] : f32 from vector<1x1x1xf32>
    %div3A = arith.divf %reduce_sum3A_35, %reduce_sum3A_25 : f32
    %exp3A = math.exp %slice3A_3 : vector<8x1024x128xf32>
    %mul3A_36 = arith.constant 1.000000e+01 : f32
    %mul3A_37 = vector.broadcast %mul3A_36 : f32 to vector<8x1024x128xf32>
    %mul3A_38 = arith.mulf %exp3A, %mul3A_37 : vector<8x1024x128xf32>
    %mul3A_39 = arith.mulf %slice3A_3, %slice3A_3 : vector<8x1024x128xf32>
    %slice3A_40 = vector.extract_strided_slice %convert_element_type3A_11 {offsets = [0, 0, 0], sizes = [1, 1024, 128], strides = [1, 1, 1]} : vector<4x1024x128xf32> to vector<1x1024x128xf32>
    %squeeze3A_41 = vector.shape_cast %slice3A_40 : vector<1x1024x128xf32> to vector<1024x128xf32>
    %reduce_sum3A_42 = vector.shape_cast %squeeze3A_41 : vector<1024x128xf32> to vector<1x1024x128xf32>
    %reduce_sum3A_43 = arith.constant dense<0.000000e+00> : vector<1xf32>
    %reduce_sum3A_44 = vector.multi_reduction <add>, %reduce_sum3A_42, %reduce_sum3A_43 [1, 2] : vector<1x1024x128xf32> to vector<1xf32>
    %reduce_sum3A_45 = vector.shape_cast %reduce_sum3A_44 : vector<1xf32> to vector<1x1x1xf32>
    %reduce_sum3A_46 = vector.extract %reduce_sum3A_45[0, 0, 0] : f32 from vector<1x1x1xf32>
    %broadcast_in_dim3A = vector.shape_cast %squeeze3A_41 : vector<1024x128xf32> to vector<1x1024x128xf32>
    %mul3A_47 = vector.broadcast %broadcast_in_dim3A : vector<1x1024x128xf32> to vector<8x1024x128xf32>
    %mul3A_48 = arith.mulf %slice3A, %mul3A_47 : vector<8x1024x128xf32>
    %reduce_sum3A_49 = arith.constant dense<0.000000e+00> : vector<8xf32>
    %reduce_sum3A_50 = vector.multi_reduction <add>, %mul3A_48, %reduce_sum3A_49 [1, 2] : vector<8x1024x128xf32> to vector<8xf32>
    %mul3A_51 = vector.broadcast %broadcast_in_dim3A : vector<1x1024x128xf32> to vector<8x1024x128xf32>
    %mul3A_52 = arith.mulf %slice3A_3, %mul3A_51 : vector<8x1024x128xf32>
    %reduce_sum3A_53 = arith.constant dense<0.000000e+00> : vector<8xf32>
    %reduce_sum3A_54 = vector.multi_reduction <add>, %mul3A_52, %reduce_sum3A_53 [1, 2] : vector<8x1024x128xf32> to vector<8xf32>
    %mul3A_55 = vector.broadcast %broadcast_in_dim3A : vector<1x1024x128xf32> to vector<8x1024x128xf32>
    %mul3A_56 = arith.mulf %mul3A_39, %mul3A_55 : vector<8x1024x128xf32>
    %reduce_sum3A_57 = arith.constant dense<0.000000e+00> : vector<8xf32>
    %reduce_sum3A_58 = vector.multi_reduction <add>, %mul3A_56, %reduce_sum3A_57 [1, 2] : vector<8x1024x128xf32> to vector<8xf32>
    %mul3A_59 = vector.broadcast %broadcast_in_dim3A : vector<1x1024x128xf32> to vector<8x1024x128xf32>
    %mul3A_60 = arith.mulf %mul3A_38, %mul3A_59 : vector<8x1024x128xf32>
    %reduce_sum3A_61 = arith.constant dense<0.000000e+00> : vector<8xf32>
    %reduce_sum3A_62 = vector.multi_reduction <add>, %mul3A_60, %reduce_sum3A_61 [1, 2] : vector<8x1024x128xf32> to vector<8xf32>
    %div3A_63 = vector.broadcast %reduce_sum3A_46 : f32 to vector<8xf32>
    %div3A_64 = arith.divf %reduce_sum3A_50, %div3A_63 : vector<8xf32>
    %div3A_65 = vector.broadcast %reduce_sum3A_46 : f32 to vector<8xf32>
    %div3A_66 = arith.divf %reduce_sum3A_62, %div3A_65 : vector<8xf32>
    %div3A_67 = vector.broadcast %reduce_sum3A_46 : f32 to vector<8xf32>
    %div3A_68 = arith.divf %reduce_sum3A_54, %div3A_67 : vector<8xf32>
    %mul3A_69 = vector.broadcast %reduce_sum3A_46 : f32 to vector<8xf32>
    %mul3A_70 = arith.mulf %mul3A_69, %div3A_68 : vector<8xf32>
    %mul3A_71 = arith.mulf %mul3A_70, %div3A_68 : vector<8xf32>
    %sub3A_72 = arith.subf %reduce_sum3A_58, %mul3A_71 : vector<8xf32>
    %reduce_sum3A_73 = vector.shape_cast %sub3A_72 : vector<8xf32> to vector<1x8xf32>
    %reduce_sum3A_74 = arith.constant dense<0.000000e+00> : vector<1xf32>
    %reduce_sum3A_75 = vector.multi_reduction <add>, %reduce_sum3A_73, %reduce_sum3A_74 [1] : vector<1x8xf32> to vector<1xf32>
    %reduce_sum3A_76 = vector.shape_cast %reduce_sum3A_75 : vector<1xf32> to vector<1x1xf32>
    %reduce_sum3A_77 = vector.extract %reduce_sum3A_76[0, 0] : f32 from vector<1x1xf32>
    %mul3A_78 = arith.constant 8.000000e+00 : f32
    %mul3A_79 = arith.mulf %reduce_sum3A_46, %mul3A_78 : f32
    %div3A_80 = arith.divf %reduce_sum3A_77, %mul3A_79 : f32
    %add3A = arith.constant 0.000000e+00 : f32
    %add3A_81 = arith.addf %add3A, %div3A_80 : f32
    %broadcast_in_dim3A_82 = vector.shape_cast %div3A_64 : vector<8xf32> to vector<8x1x1xf32>
    %sub3A_83 = vector.broadcast %broadcast_in_dim3A_82 : vector<8x1x1xf32> to vector<8x1024x128xf32>
    %sub3A_84 = arith.subf %slice3A, %sub3A_83 : vector<8x1024x128xf32>
    %integer_pow3A = arith.mulf %sub3A_84, %sub3A_84 : vector<8x1024x128xf32>
    %broadcast_in_dim3A_85 = vector.shape_cast %div3A_66 : vector<8xf32> to vector<8x1x1xf32>
    %mul3A_86 = vector.broadcast %broadcast_in_dim3A_85 : vector<8x1x1xf32> to vector<8x1024x128xf32>
    %mul3A_87 = arith.mulf %integer_pow3A, %mul3A_86 : vector<8x1024x128xf32>
    %reduce_sum3A_88 = arith.constant dense<0.000000e+00> : vector<1024x128xf32>
    %reduce_sum3A_89 = vector.multi_reduction <add>, %mul3A_87, %reduce_sum3A_88 [0] : vector<8x1024x128xf32> to vector<1024x128xf32>
    %mul3A_90 = arith.constant -5.000000e-01 : f32
    %mul3A_91 = vector.broadcast %mul3A_90 : f32 to vector<1024x128xf32>
    %mul3A_92 = arith.mulf %mul3A_91, %reduce_sum3A_89 : vector<1024x128xf32>
    %exp3A_93 = math.exp %mul3A_92 : vector<1024x128xf32>
    %sub3A_94 = arith.subf %squeeze3A, %exp3A_93 : vector<1024x128xf32>
    %integer_pow3A_95 = arith.mulf %sub3A_94, %sub3A_94 : vector<1024x128xf32>
    %mul3A_96 = arith.mulf %squeeze3A_41, %integer_pow3A_95 : vector<1024x128xf32>
    %reduce_sum3A_97 = vector.shape_cast %mul3A_96 : vector<1024x128xf32> to vector<1x1024x128xf32>
    %reduce_sum3A_98 = arith.constant dense<0.000000e+00> : vector<1xf32>
    %reduce_sum3A_99 = vector.multi_reduction <add>, %reduce_sum3A_97, %reduce_sum3A_98 [1, 2] : vector<1x1024x128xf32> to vector<1xf32>
    %reduce_sum3A_100 = vector.shape_cast %reduce_sum3A_99 : vector<1xf32> to vector<1x1x1xf32>
    %reduce_sum3A_101 = vector.extract %reduce_sum3A_100[0, 0, 0] : f32 from vector<1x1x1xf32>
    %div3A_102 = arith.divf %reduce_sum3A_101, %reduce_sum3A_46 : f32
    %add3A_103 = arith.addf %div3A, %div3A_102 : f32
    %gt3A = arith.constant 5.000000e-01 : f32
    %gt3A_104 = vector.broadcast %gt3A : f32 to vector<1024x128xf32>
    %gt3A_105 = arith.cmpf ogt, %squeeze3A_41, %gt3A_104 : vector<1024x128xf32>
    %mul3A_106 = arith.constant 2.000000e+00 : f32
    %mul3A_107 = vector.broadcast %mul3A_106 : f32 to vector<1024x128xf32>
    %mul3A_108 = arith.mulf %mul3A_107, %exp3A_93 : vector<1024x128xf32>
    %sub3A_109 = arith.constant 2.000000e+00 : f32
    %sub3A_110 = vector.broadcast %sub3A_109 : f32 to vector<1024x128xf32>
    %sub3A_111 = arith.subf %sub3A_110, %mul3A_108 : vector<1024x128xf32>
    %mul3A_112 = arith.constant 2.000000e+00 : f32
    %mul3A_113 = vector.broadcast %mul3A_112 : f32 to vector<1024x128xf32>
    %mul3A_114 = arith.mulf %mul3A_113, %exp3A_93 : vector<1024x128xf32>
    %select_n3A = arith.select %gt3A_105, %sub3A_111, %mul3A_114 : vector<1024x128xi1>, vector<1024x128xf32>
    %mul3A_115 = arith.constant 1.024000e+03 : f32
    %mul3A_116 = vector.broadcast %mul3A_115 : f32 to vector<1024x128xf32>
    %mul3A_117 = arith.mulf %select_n3A, %mul3A_116 : vector<1024x128xf32>
    %floor3A = math.floor %mul3A_117 : vector<1024x128xf32>
    %jit3A = arith.constant 0.000000e+00 : f32
    %jit3A_118 = arith.constant 2.047000e+03 : f32
    %max3A = vector.broadcast %jit3A : f32 to vector<1024x128xf32>
    %max3A_119 = arith.maximumf %max3A, %floor3A : vector<1024x128xf32>
    %min3A = vector.broadcast %jit3A_118 : f32 to vector<1024x128xf32>
    %min3A_120 = arith.minimumf %min3A, %max3A_119 : vector<1024x128xf32>
    %convert_element_type3A_121 = arith.fptosi %min3A_120 : vector<1024x128xf32> to vector<1024x128xi32>
    %convert_element_type3A_122 = arith.fptosi %squeeze3A_41 : vector<1024x128xf32> to vector<1024x128xi32>
    %mul3A_123 = arith.constant 2048 : i32
    %mul3A_124 = vector.broadcast %mul3A_123 : i32 to vector<1024x128xi32>
    %mul3A_125 = arith.muli %convert_element_type3A_122, %mul3A_124 : vector<1024x128xi32>
    %add3A_126 = arith.constant 0 : i32
    %add3A_127 = vector.broadcast %add3A_126 : i32 to vector<1024x128xi32>
    %add3A_128 = arith.addi %add3A_127, %mul3A_125 : vector<1024x128xi32>
    %add3A_129 = arith.addi %add3A_128, %convert_element_type3A_121 : vector<1024x128xi32>
    %swap3A = arith.constant 0 : index
    %swap3A_130 = arith.constant 0 : index
    %swap3A_131 = arith.constant 0 : index
    %swap3A_132 = vector.load %arg3[%swap3A, %swap3A_130, %swap3A_131] : memref<4x1024x128xi32, #tpu.memory_space<vmem>>, vector<1x1024x128xi32>
    %swap3A_133 = vector.shape_cast %swap3A_132 : vector<1x1024x128xi32> to vector<1024x128xi32>
    %swap3A_134 = vector.shape_cast %add3A_129 : vector<1024x128xi32> to vector<1x1024x128xi32>
    tpu.vector_store %arg3[%swap3A, %swap3A_130, %swap3A_131], %swap3A_134 {strides = array<i32>} : memref<4x1024x128xi32, #tpu.memory_space<vmem>>, vector<1x1024x128xi32>,
    %slice3A_135 = vector.extract_strided_slice %convert_element_type3A_11 {offsets = [1, 0, 0], sizes = [1, 1024, 128], strides = [1, 1, 1]} : vector<4x1024x128xf32> to vector<1x1024x128xf32>
    %squeeze3A_136 = vector.shape_cast %slice3A_135 : vector<1x1024x128xf32> to vector<1024x128xf32>
    %reduce_sum3A_137 = vector.shape_cast %squeeze3A_136 : vector<1024x128xf32> to vector<1x1024x128xf32>
    %reduce_sum3A_138 = arith.constant dense<0.000000e+00> : vector<1xf32>
    %reduce_sum3A_139 = vector.multi_reduction <add>, %reduce_sum3A_137, %reduce_sum3A_138 [1, 2] : vector<1x1024x128xf32> to vector<1xf32>
    %reduce_sum3A_140 = vector.shape_cast %reduce_sum3A_139 : vector<1xf32> to vector<1x1x1xf32>
    %reduce_sum3A_141 = vector.extract %reduce_sum3A_140[0, 0, 0] : f32 from vector<1x1x1xf32>
    %broadcast_in_dim3A_142 = vector.shape_cast %squeeze3A_136 : vector<1024x128xf32> to vector<1x1024x128xf32>
    %mul3A_143 = vector.broadcast %broadcast_in_dim3A_142 : vector<1x1024x128xf32> to vector<8x1024x128xf32>
    %mul3A_144 = arith.mulf %slice3A, %mul3A_143 : vector<8x1024x128xf32>
    %reduce_sum3A_145 = arith.constant dense<0.000000e+00> : vector<8xf32>
    %reduce_sum3A_146 = vector.multi_reduction <add>, %mul3A_144, %reduce_sum3A_145 [1, 2] : vector<8x1024x128xf32> to vector<8xf32>
    %mul3A_147 = vector.broadcast %broadcast_in_dim3A_142 : vector<1x1024x128xf32> to vector<8x1024x128xf32>
    %mul3A_148 = arith.mulf %slice3A_3, %mul3A_147 : vector<8x1024x128xf32>
    %reduce_sum3A_149 = arith.constant dense<0.000000e+00> : vector<8xf32>
    %reduce_sum3A_150 = vector.multi_reduction <add>, %mul3A_148, %reduce_sum3A_149 [1, 2] : vector<8x1024x128xf32> to vector<8xf32>
    %mul3A_151 = vector.broadcast %broadcast_in_dim3A_142 : vector<1x1024x128xf32> to vector<8x1024x128xf32>
    %mul3A_152 = arith.mulf %mul3A_39, %mul3A_151 : vector<8x1024x128xf32>
    %reduce_sum3A_153 = arith.constant dense<0.000000e+00> : vector<8xf32>
    %reduce_sum3A_154 = vector.multi_reduction <add>, %mul3A_152, %reduce_sum3A_153 [1, 2] : vector<8x1024x128xf32> to vector<8xf32>
    %mul3A_155 = vector.broadcast %broadcast_in_dim3A_142 : vector<1x1024x128xf32> to vector<8x1024x128xf32>
    %mul3A_156 = arith.mulf %mul3A_38, %mul3A_155 : vector<8x1024x128xf32>
    %reduce_sum3A_157 = arith.constant dense<0.000000e+00> : vector<8xf32>
    %reduce_sum3A_158 = vector.multi_reduction <add>, %mul3A_156, %reduce_sum3A_157 [1, 2] : vector<8x1024x128xf32> to vector<8xf32>
    %div3A_159 = vector.broadcast %reduce_sum3A_141 : f32 to vector<8xf32>
    %div3A_160 = arith.divf %reduce_sum3A_146, %div3A_159 : vector<8xf32>
    %div3A_161 = vector.broadcast %reduce_sum3A_141 : f32 to vector<8xf32>
    %div3A_162 = arith.divf %reduce_sum3A_158, %div3A_161 : vector<8xf32>
    %div3A_163 = vector.broadcast %reduce_sum3A_141 : f32 to vector<8xf32>
    %div3A_164 = arith.divf %reduce_sum3A_150, %div3A_163 : vector<8xf32>
    %mul3A_165 = vector.broadcast %reduce_sum3A_141 : f32 to vector<8xf32>
    %mul3A_166 = arith.mulf %mul3A_165, %div3A_164 : vector<8xf32>
    %mul3A_167 = arith.mulf %mul3A_166, %div3A_164 : vector<8xf32>
    %sub3A_168 = arith.subf %reduce_sum3A_154, %mul3A_167 : vector<8xf32>
    %reduce_sum3A_169 = vector.shape_cast %sub3A_168 : vector<8xf32> to vector<1x8xf32>
    %reduce_sum3A_170 = arith.constant dense<0.000000e+00> : vector<1xf32>
    %reduce_sum3A_171 = vector.multi_reduction <add>, %reduce_sum3A_169, %reduce_sum3A_170 [1] : vector<1x8xf32> to vector<1xf32>
    %reduce_sum3A_172 = vector.shape_cast %reduce_sum3A_171 : vector<1xf32> to vector<1x1xf32>
    %reduce_sum3A_173 = vector.extract %reduce_sum3A_172[0, 0] : f32 from vector<1x1xf32>
    %mul3A_174 = arith.constant 8.000000e+00 : f32
    %mul3A_175 = arith.mulf %reduce_sum3A_141, %mul3A_174 : f32
    %div3A_176 = arith.divf %reduce_sum3A_173, %mul3A_175 : f32
    %add3A_177 = arith.addf %add3A_81, %div3A_176 : f32
    %broadcast_in_dim3A_178 = vector.shape_cast %div3A_160 : vector<8xf32> to vector<8x1x1xf32>
    %sub3A_179 = vector.broadcast %broadcast_in_dim3A_178 : vector<8x1x1xf32> to vector<8x1024x128xf32>
    %sub3A_180 = arith.subf %slice3A, %sub3A_179 : vector<8x1024x128xf32>
    %integer_pow3A_181 = arith.mulf %sub3A_180, %sub3A_180 : vector<8x1024x128xf32>
    %broadcast_in_dim3A_182 = vector.shape_cast %div3A_162 : vector<8xf32> to vector<8x1x1xf32>
    %mul3A_183 = vector.broadcast %broadcast_in_dim3A_182 : vector<8x1x1xf32> to vector<8x1024x128xf32>
    %mul3A_184 = arith.mulf %integer_pow3A_181, %mul3A_183 : vector<8x1024x128xf32>
    %reduce_sum3A_185 = arith.constant dense<0.000000e+00> : vector<1024x128xf32>
    %reduce_sum3A_186 = vector.multi_reduction <add>, %mul3A_184, %reduce_sum3A_185 [0] : vector<8x1024x128xf32> to vector<1024x128xf32>
    %mul3A_187 = arith.constant -5.000000e-01 : f32
    %mul3A_188 = vector.broadcast %mul3A_187 : f32 to vector<1024x128xf32>
    %mul3A_189 = arith.mulf %mul3A_188, %reduce_sum3A_186 : vector<1024x128xf32>
    %exp3A_190 = math.exp %mul3A_189 : vector<1024x128xf32>
    %sub3A_191 = arith.subf %squeeze3A, %exp3A_190 : vector<1024x128xf32>
    %integer_pow3A_192 = arith.mulf %sub3A_191, %sub3A_191 : vector<1024x128xf32>
    %mul3A_193 = arith.mulf %squeeze3A_136, %integer_pow3A_192 : vector<1024x128xf32>
    %reduce_sum3A_194 = vector.shape_cast %mul3A_193 : vector<1024x128xf32> to vector<1x1024x128xf32>
    %reduce_sum3A_195 = arith.constant dense<0.000000e+00> : vector<1xf32>
    %reduce_sum3A_196 = vector.multi_reduction <add>, %reduce_sum3A_194, %reduce_sum3A_195 [1, 2] : vector<1x1024x128xf32> to vector<1xf32>
    %reduce_sum3A_197 = vector.shape_cast %reduce_sum3A_196 : vector<1xf32> to vector<1x1x1xf32>
    %reduce_sum3A_198 = vector.extract %reduce_sum3A_197[0, 0, 0] : f32 from vector<1x1x1xf32>
    %div3A_199 = arith.divf %reduce_sum3A_198, %reduce_sum3A_141 : f32
    %add3A_200 = arith.addf %add3A_103, %div3A_199 : f32
    %gt3A_201 = arith.constant 5.000000e-01 : f32
    %gt3A_202 = vector.broadcast %gt3A_201 : f32 to vector<1024x128xf32>
    %gt3A_203 = arith.cmpf ogt, %squeeze3A_136, %gt3A_202 : vector<1024x128xf32>
    %mul3A_204 = arith.constant 2.000000e+00 : f32
    %mul3A_205 = vector.broadcast %mul3A_204 : f32 to vector<1024x128xf32>
    %mul3A_206 = arith.mulf %mul3A_205, %exp3A_190 : vector<1024x128xf32>
    %sub3A_207 = arith.constant 2.000000e+00 : f32
    %sub3A_208 = vector.broadcast %sub3A_207 : f32 to vector<1024x128xf32>
    %sub3A_209 = arith.subf %sub3A_208, %mul3A_206 : vector<1024x128xf32>
    %mul3A_210 = arith.constant 2.000000e+00 : f32
    %mul3A_211 = vector.broadcast %mul3A_210 : f32 to vector<1024x128xf32>
    %mul3A_212 = arith.mulf %mul3A_211, %exp3A_190 : vector<1024x128xf32>
    %select_n3A_213 = arith.select %gt3A_203, %sub3A_209, %mul3A_212 : vector<1024x128xi1>, vector<1024x128xf32>
    %mul3A_214 = arith.constant 1.024000e+03 : f32
    %mul3A_215 = vector.broadcast %mul3A_214 : f32 to vector<1024x128xf32>
    %mul3A_216 = arith.mulf %select_n3A_213, %mul3A_215 : vector<1024x128xf32>
    %floor3A_217 = math.floor %mul3A_216 : vector<1024x128xf32>
    %jit3A_218 = arith.constant 0.000000e+00 : f32
    %jit3A_219 = arith.constant 2.047000e+03 : f32
    %max3A_220 = vector.broadcast %jit3A_218 : f32 to vector<1024x128xf32>
    %max3A_221 = arith.maximumf %max3A_220, %floor3A_217 : vector<1024x128xf32>
    %min3A_222 = vector.broadcast %jit3A_219 : f32 to vector<1024x128xf32>
    %min3A_223 = arith.minimumf %min3A_222, %max3A_221 : vector<1024x128xf32>
    %convert_element_type3A_224 = arith.fptosi %min3A_223 : vector<1024x128xf32> to vector<1024x128xi32>
    %convert_element_type3A_225 = arith.fptosi %squeeze3A_136 : vector<1024x128xf32> to vector<1024x128xi32>
    %mul3A_226 = arith.constant 2048 : i32
    %mul3A_227 = vector.broadcast %mul3A_226 : i32 to vector<1024x128xi32>
    %mul3A_228 = arith.muli %convert_element_type3A_225, %mul3A_227 : vector<1024x128xi32>
    %add3A_229 = arith.constant 4096 : i32
    %add3A_230 = vector.broadcast %add3A_229 : i32 to vector<1024x128xi32>
    %add3A_231 = arith.addi %add3A_230, %mul3A_228 : vector<1024x128xi32>
    %add3A_232 = arith.addi %add3A_231, %convert_element_type3A_224 : vector<1024x128xi32>
    %swap3A_233 = arith.constant 1 : index
    %swap3A_234 = arith.constant 0 : index
    %swap3A_235 = arith.constant 0 : index
    %swap3A_236 = vector.load %arg3[%swap3A_233, %swap3A_234, %swap3A_235] : memref<4x1024x128xi32, #tpu.memory_space<vmem>>, vector<1x1024x128xi32>
    %swap3A_237 = vector.shape_cast %swap3A_236 : vector<1x1024x128xi32> to vector<1024x128xi32>
    %swap3A_238 = vector.shape_cast %add3A_232 : vector<1024x128xi32> to vector<1x1024x128xi32>
    tpu.vector_store %arg3[%swap3A_233, %swap3A_234, %swap3A_235], %swap3A_238 {strides = array<i32>} : memref<4x1024x128xi32, #tpu.memory_space<vmem>>, vector<1x1024x128xi32>,
    %slice3A_239 = vector.extract_strided_slice %convert_element_type3A_11 {offsets = [2, 0, 0], sizes = [1, 1024, 128], strides = [1, 1, 1]} : vector<4x1024x128xf32> to vector<1x1024x128xf32>
    %squeeze3A_240 = vector.shape_cast %slice3A_239 : vector<1x1024x128xf32> to vector<1024x128xf32>
    %reduce_sum3A_241 = vector.shape_cast %squeeze3A_240 : vector<1024x128xf32> to vector<1x1024x128xf32>
    %reduce_sum3A_242 = arith.constant dense<0.000000e+00> : vector<1xf32>
    %reduce_sum3A_243 = vector.multi_reduction <add>, %reduce_sum3A_241, %reduce_sum3A_242 [1, 2] : vector<1x1024x128xf32> to vector<1xf32>
    %reduce_sum3A_244 = vector.shape_cast %reduce_sum3A_243 : vector<1xf32> to vector<1x1x1xf32>
    %reduce_sum3A_245 = vector.extract %reduce_sum3A_244[0, 0, 0] : f32 from vector<1x1x1xf32>
    %broadcast_in_dim3A_246 = vector.shape_cast %squeeze3A_240 : vector<1024x128xf32> to vector<1x1024x128xf32>
    %mul3A_247 = vector.broadcast %broadcast_in_dim3A_246 : vector<1x1024x128xf32> to vector<8x1024x128xf32>
    %mul3A_248 = arith.mulf %slice3A, %mul3A_247 : vector<8x1024x128xf32>
    %reduce_sum3A_249 = arith.constant dense<0.000000e+00> : vector<8xf32>
    %reduce_sum3A_250 = vector.multi_reduction <add>, %mul3A_248, %reduce_sum3A_249 [1, 2] : vector<8x1024x128xf32> to vector<8xf32>
    %mul3A_251 = vector.broadcast %broadcast_in_dim3A_246 : vector<1x1024x128xf32> to vector<8x1024x128xf32>
    %mul3A_252 = arith.mulf %slice3A_3, %mul3A_251 : vector<8x1024x128xf32>
    %reduce_sum3A_253 = arith.constant dense<0.000000e+00> : vector<8xf32>
    %reduce_sum3A_254 = vector.multi_reduction <add>, %mul3A_252, %reduce_sum3A_253 [1, 2] : vector<8x1024x128xf32> to vector<8xf32>
    %mul3A_255 = vector.broadcast %broadcast_in_dim3A_246 : vector<1x1024x128xf32> to vector<8x1024x128xf32>
    %mul3A_256 = arith.mulf %mul3A_39, %mul3A_255 : vector<8x1024x128xf32>
    %reduce_sum3A_257 = arith.constant dense<0.000000e+00> : vector<8xf32>
    %reduce_sum3A_258 = vector.multi_reduction <add>, %mul3A_256, %reduce_sum3A_257 [1, 2] : vector<8x1024x128xf32> to vector<8xf32>
    %mul3A_259 = vector.broadcast %broadcast_in_dim3A_246 : vector<1x1024x128xf32> to vector<8x1024x128xf32>
    %mul3A_260 = arith.mulf %mul3A_38, %mul3A_259 : vector<8x1024x128xf32>
    %reduce_sum3A_261 = arith.constant dense<0.000000e+00> : vector<8xf32>
    %reduce_sum3A_262 = vector.multi_reduction <add>, %mul3A_260, %reduce_sum3A_261 [1, 2] : vector<8x1024x128xf32> to vector<8xf32>
    %div3A_263 = vector.broadcast %reduce_sum3A_245 : f32 to vector<8xf32>
    %div3A_264 = arith.divf %reduce_sum3A_250, %div3A_263 : vector<8xf32>
    %div3A_265 = vector.broadcast %reduce_sum3A_245 : f32 to vector<8xf32>
    %div3A_266 = arith.divf %reduce_sum3A_262, %div3A_265 : vector<8xf32>
    %div3A_267 = vector.broadcast %reduce_sum3A_245 : f32 to vector<8xf32>
    %div3A_268 = arith.divf %reduce_sum3A_254, %div3A_267 : vector<8xf32>
    %mul3A_269 = vector.broadcast %reduce_sum3A_245 : f32 to vector<8xf32>
    %mul3A_270 = arith.mulf %mul3A_269, %div3A_268 : vector<8xf32>
    %mul3A_271 = arith.mulf %mul3A_270, %div3A_268 : vector<8xf32>
    %sub3A_272 = arith.subf %reduce_sum3A_258, %mul3A_271 : vector<8xf32>
    %reduce_sum3A_273 = vector.shape_cast %sub3A_272 : vector<8xf32> to vector<1x8xf32>
    %reduce_sum3A_274 = arith.constant dense<0.000000e+00> : vector<1xf32>
    %reduce_sum3A_275 = vector.multi_reduction <add>, %reduce_sum3A_273, %reduce_sum3A_274 [1] : vector<1x8xf32> to vector<1xf32>
    %reduce_sum3A_276 = vector.shape_cast %reduce_sum3A_275 : vector<1xf32> to vector<1x1xf32>
    %reduce_sum3A_277 = vector.extract %reduce_sum3A_276[0, 0] : f32 from vector<1x1xf32>
    %mul3A_278 = arith.constant 8.000000e+00 : f32
    %mul3A_279 = arith.mulf %reduce_sum3A_245, %mul3A_278 : f32
    %div3A_280 = arith.divf %reduce_sum3A_277, %mul3A_279 : f32
    %add3A_281 = arith.addf %add3A_177, %div3A_280 : f32
    %broadcast_in_dim3A_282 = vector.shape_cast %div3A_264 : vector<8xf32> to vector<8x1x1xf32>
    %sub3A_283 = vector.broadcast %broadcast_in_dim3A_282 : vector<8x1x1xf32> to vector<8x1024x128xf32>
    %sub3A_284 = arith.subf %slice3A, %sub3A_283 : vector<8x1024x128xf32>
    %integer_pow3A_285 = arith.mulf %sub3A_284, %sub3A_284 : vector<8x1024x128xf32>
    %broadcast_in_dim3A_286 = vector.shape_cast %div3A_266 : vector<8xf32> to vector<8x1x1xf32>
    %mul3A_287 = vector.broadcast %broadcast_in_dim3A_286 : vector<8x1x1xf32> to vector<8x1024x128xf32>
    %mul3A_288 = arith.mulf %integer_pow3A_285, %mul3A_287 : vector<8x1024x128xf32>
    %reduce_sum3A_289 = arith.constant dense<0.000000e+00> : vector<1024x128xf32>
    %reduce_sum3A_290 = vector.multi_reduction <add>, %mul3A_288, %reduce_sum3A_289 [0] : vector<8x1024x128xf32> to vector<1024x128xf32>
    %mul3A_291 = arith.constant -5.000000e-01 : f32
    %mul3A_292 = vector.broadcast %mul3A_291 : f32 to vector<1024x128xf32>
    %mul3A_293 = arith.mulf %mul3A_292, %reduce_sum3A_290 : vector<1024x128xf32>
    %exp3A_294 = math.exp %mul3A_293 : vector<1024x128xf32>
    %sub3A_295 = arith.subf %squeeze3A, %exp3A_294 : vector<1024x128xf32>
    %integer_pow3A_296 = arith.mulf %sub3A_295, %sub3A_295 : vector<1024x128xf32>
    %mul3A_297 = arith.mulf %squeeze3A_240, %integer_pow3A_296 : vector<1024x128xf32>
    %reduce_sum3A_298 = vector.shape_cast %mul3A_297 : vector<1024x128xf32> to vector<1x1024x128xf32>
    %reduce_sum3A_299 = arith.constant dense<0.000000e+00> : vector<1xf32>
    %reduce_sum3A_300 = vector.multi_reduction <add>, %reduce_sum3A_298, %reduce_sum3A_299 [1, 2] : vector<1x1024x128xf32> to vector<1xf32>
    %reduce_sum3A_301 = vector.shape_cast %reduce_sum3A_300 : vector<1xf32> to vector<1x1x1xf32>
    %reduce_sum3A_302 = vector.extract %reduce_sum3A_301[0, 0, 0] : f32 from vector<1x1x1xf32>
    %div3A_303 = arith.divf %reduce_sum3A_302, %reduce_sum3A_245 : f32
    %add3A_304 = arith.addf %add3A_200, %div3A_303 : f32
    %gt3A_305 = arith.constant 5.000000e-01 : f32
    %gt3A_306 = vector.broadcast %gt3A_305 : f32 to vector<1024x128xf32>
    %gt3A_307 = arith.cmpf ogt, %squeeze3A_240, %gt3A_306 : vector<1024x128xf32>
    %mul3A_308 = arith.constant 2.000000e+00 : f32
    %mul3A_309 = vector.broadcast %mul3A_308 : f32 to vector<1024x128xf32>
    %mul3A_310 = arith.mulf %mul3A_309, %exp3A_294 : vector<1024x128xf32>
    %sub3A_311 = arith.constant 2.000000e+00 : f32
    %sub3A_312 = vector.broadcast %sub3A_311 : f32 to vector<1024x128xf32>
    %sub3A_313 = arith.subf %sub3A_312, %mul3A_310 : vector<1024x128xf32>
    %mul3A_314 = arith.constant 2.000000e+00 : f32
    %mul3A_315 = vector.broadcast %mul3A_314 : f32 to vector<1024x128xf32>
    %mul3A_316 = arith.mulf %mul3A_315, %exp3A_294 : vector<1024x128xf32>
    %select_n3A_317 = arith.select %gt3A_307, %sub3A_313, %mul3A_316 : vector<1024x128xi1>, vector<1024x128xf32>
    %mul3A_318 = arith.constant 1.024000e+03 : f32
    %mul3A_319 = vector.broadcast %mul3A_318 : f32 to vector<1024x128xf32>
    %mul3A_320 = arith.mulf %select_n3A_317, %mul3A_319 : vector<1024x128xf32>
    %floor3A_321 = math.floor %mul3A_320 : vector<1024x128xf32>
    %jit3A_322 = arith.constant 0.000000e+00 : f32
    %jit3A_323 = arith.constant 2.047000e+03 : f32
    %max3A_324 = vector.broadcast %jit3A_322 : f32 to vector<1024x128xf32>
    %max3A_325 = arith.maximumf %max3A_324, %floor3A_321 : vector<1024x128xf32>
    %min3A_326 = vector.broadcast %jit3A_323 : f32 to vector<1024x128xf32>
    %min3A_327 = arith.minimumf %min3A_326, %max3A_325 : vector<1024x128xf32>
    %convert_element_type3A_328 = arith.fptosi %min3A_327 : vector<1024x128xf32> to vector<1024x128xi32>
    %convert_element_type3A_329 = arith.fptosi %squeeze3A_240 : vector<1024x128xf32> to vector<1024x128xi32>
    %mul3A_330 = arith.constant 2048 : i32
    %mul3A_331 = vector.broadcast %mul3A_330 : i32 to vector<1024x128xi32>
    %mul3A_332 = arith.muli %convert_element_type3A_329, %mul3A_331 : vector<1024x128xi32>
    %add3A_333 = arith.constant 8192 : i32
    %add3A_334 = vector.broadcast %add3A_333 : i32 to vector<1024x128xi32>
    %add3A_335 = arith.addi %add3A_334, %mul3A_332 : vector<1024x128xi32>
    %add3A_336 = arith.addi %add3A_335, %convert_element_type3A_328 : vector<1024x128xi32>
    %swap3A_337 = arith.constant 2 : index
    %swap3A_338 = arith.constant 0 : index
    %swap3A_339 = arith.constant 0 : index
    %swap3A_340 = vector.load %arg3[%swap3A_337, %swap3A_338, %swap3A_339] : memref<4x1024x128xi32, #tpu.memory_space<vmem>>, vector<1x1024x128xi32>
    %swap3A_341 = vector.shape_cast %swap3A_340 : vector<1x1024x128xi32> to vector<1024x128xi32>
    %swap3A_342 = vector.shape_cast %add3A_336 : vector<1024x128xi32> to vector<1x1024x128xi32>
    tpu.vector_store %arg3[%swap3A_337, %swap3A_338, %swap3A_339], %swap3A_342 {strides = array<i32>} : memref<4x1024x128xi32, #tpu.memory_space<vmem>>, vector<1x1024x128xi32>,
    %slice3A_343 = vector.extract_strided_slice %convert_element_type3A_11 {offsets = [3, 0, 0], sizes = [1, 1024, 128], strides = [1, 1, 1]} : vector<4x1024x128xf32> to vector<1x1024x128xf32>
    %squeeze3A_344 = vector.shape_cast %slice3A_343 : vector<1x1024x128xf32> to vector<1024x128xf32>
    %reduce_sum3A_345 = vector.shape_cast %squeeze3A_344 : vector<1024x128xf32> to vector<1x1024x128xf32>
    %reduce_sum3A_346 = arith.constant dense<0.000000e+00> : vector<1xf32>
    %reduce_sum3A_347 = vector.multi_reduction <add>, %reduce_sum3A_345, %reduce_sum3A_346 [1, 2] : vector<1x1024x128xf32> to vector<1xf32>
    %reduce_sum3A_348 = vector.shape_cast %reduce_sum3A_347 : vector<1xf32> to vector<1x1x1xf32>
    %reduce_sum3A_349 = vector.extract %reduce_sum3A_348[0, 0, 0] : f32 from vector<1x1x1xf32>
    %broadcast_in_dim3A_350 = vector.shape_cast %squeeze3A_344 : vector<1024x128xf32> to vector<1x1024x128xf32>
    %mul3A_351 = vector.broadcast %broadcast_in_dim3A_350 : vector<1x1024x128xf32> to vector<8x1024x128xf32>
    %mul3A_352 = arith.mulf %slice3A, %mul3A_351 : vector<8x1024x128xf32>
    %reduce_sum3A_353 = arith.constant dense<0.000000e+00> : vector<8xf32>
    %reduce_sum3A_354 = vector.multi_reduction <add>, %mul3A_352, %reduce_sum3A_353 [1, 2] : vector<8x1024x128xf32> to vector<8xf32>
    %mul3A_355 = vector.broadcast %broadcast_in_dim3A_350 : vector<1x1024x128xf32> to vector<8x1024x128xf32>
    %mul3A_356 = arith.mulf %slice3A_3, %mul3A_355 : vector<8x1024x128xf32>
    %reduce_sum3A_357 = arith.constant dense<0.000000e+00> : vector<8xf32>
    %reduce_sum3A_358 = vector.multi_reduction <add>, %mul3A_356, %reduce_sum3A_357 [1, 2] : vector<8x1024x128xf32> to vector<8xf32>
    %mul3A_359 = vector.broadcast %broadcast_in_dim3A_350 : vector<1x1024x128xf32> to vector<8x1024x128xf32>
    %mul3A_360 = arith.mulf %mul3A_39, %mul3A_359 : vector<8x1024x128xf32>
    %reduce_sum3A_361 = arith.constant dense<0.000000e+00> : vector<8xf32>
    %reduce_sum3A_362 = vector.multi_reduction <add>, %mul3A_360, %reduce_sum3A_361 [1, 2] : vector<8x1024x128xf32> to vector<8xf32>
    %mul3A_363 = vector.broadcast %broadcast_in_dim3A_350 : vector<1x1024x128xf32> to vector<8x1024x128xf32>
    %mul3A_364 = arith.mulf %mul3A_38, %mul3A_363 : vector<8x1024x128xf32>
    %reduce_sum3A_365 = arith.constant dense<0.000000e+00> : vector<8xf32>
    %reduce_sum3A_366 = vector.multi_reduction <add>, %mul3A_364, %reduce_sum3A_365 [1, 2] : vector<8x1024x128xf32> to vector<8xf32>
    %div3A_367 = vector.broadcast %reduce_sum3A_349 : f32 to vector<8xf32>
    %div3A_368 = arith.divf %reduce_sum3A_354, %div3A_367 : vector<8xf32>
    %div3A_369 = vector.broadcast %reduce_sum3A_349 : f32 to vector<8xf32>
    %div3A_370 = arith.divf %reduce_sum3A_366, %div3A_369 : vector<8xf32>
    %div3A_371 = vector.broadcast %reduce_sum3A_349 : f32 to vector<8xf32>
    %div3A_372 = arith.divf %reduce_sum3A_358, %div3A_371 : vector<8xf32>
    %mul3A_373 = vector.broadcast %reduce_sum3A_349 : f32 to vector<8xf32>
    %mul3A_374 = arith.mulf %mul3A_373, %div3A_372 : vector<8xf32>
    %mul3A_375 = arith.mulf %mul3A_374, %div3A_372 : vector<8xf32>
    %sub3A_376 = arith.subf %reduce_sum3A_362, %mul3A_375 : vector<8xf32>
    %reduce_sum3A_377 = vector.shape_cast %sub3A_376 : vector<8xf32> to vector<1x8xf32>
    %reduce_sum3A_378 = arith.constant dense<0.000000e+00> : vector<1xf32>
    %reduce_sum3A_379 = vector.multi_reduction <add>, %reduce_sum3A_377, %reduce_sum3A_378 [1] : vector<1x8xf32> to vector<1xf32>
    %reduce_sum3A_380 = vector.shape_cast %reduce_sum3A_379 : vector<1xf32> to vector<1x1xf32>
    %reduce_sum3A_381 = vector.extract %reduce_sum3A_380[0, 0] : f32 from vector<1x1xf32>
    %mul3A_382 = arith.constant 8.000000e+00 : f32
    %mul3A_383 = arith.mulf %reduce_sum3A_349, %mul3A_382 : f32
    %div3A_384 = arith.divf %reduce_sum3A_381, %mul3A_383 : f32
    %add3A_385 = arith.addf %add3A_281, %div3A_384 : f32
    %broadcast_in_dim3A_386 = vector.shape_cast %div3A_368 : vector<8xf32> to vector<8x1x1xf32>
    %sub3A_387 = vector.broadcast %broadcast_in_dim3A_386 : vector<8x1x1xf32> to vector<8x1024x128xf32>
    %sub3A_388 = arith.subf %slice3A, %sub3A_387 : vector<8x1024x128xf32>
    %integer_pow3A_389 = arith.mulf %sub3A_388, %sub3A_388 : vector<8x1024x128xf32>
    %broadcast_in_dim3A_390 = vector.shape_cast %div3A_370 : vector<8xf32> to vector<8x1x1xf32>
    %mul3A_391 = vector.broadcast %broadcast_in_dim3A_390 : vector<8x1x1xf32> to vector<8x1024x128xf32>
    %mul3A_392 = arith.mulf %integer_pow3A_389, %mul3A_391 : vector<8x1024x128xf32>
    %reduce_sum3A_393 = arith.constant dense<0.000000e+00> : vector<1024x128xf32>
    %reduce_sum3A_394 = vector.multi_reduction <add>, %mul3A_392, %reduce_sum3A_393 [0] : vector<8x1024x128xf32> to vector<1024x128xf32>
    %mul3A_395 = arith.constant -5.000000e-01 : f32
    %mul3A_396 = vector.broadcast %mul3A_395 : f32 to vector<1024x128xf32>
    %mul3A_397 = arith.mulf %mul3A_396, %reduce_sum3A_394 : vector<1024x128xf32>
    %exp3A_398 = math.exp %mul3A_397 : vector<1024x128xf32>
    %sub3A_399 = arith.subf %squeeze3A, %exp3A_398 : vector<1024x128xf32>
    %integer_pow3A_400 = arith.mulf %sub3A_399, %sub3A_399 : vector<1024x128xf32>
    %mul3A_401 = arith.mulf %squeeze3A_344, %integer_pow3A_400 : vector<1024x128xf32>
    %reduce_sum3A_402 = vector.shape_cast %mul3A_401 : vector<1024x128xf32> to vector<1x1024x128xf32>
    %reduce_sum3A_403 = arith.constant dense<0.000000e+00> : vector<1xf32>
    %reduce_sum3A_404 = vector.multi_reduction <add>, %reduce_sum3A_402, %reduce_sum3A_403 [1, 2] : vector<1x1024x128xf32> to vector<1xf32>
    %reduce_sum3A_405 = vector.shape_cast %reduce_sum3A_404 : vector<1xf32> to vector<1x1x1xf32>
    %reduce_sum3A_406 = vector.extract %reduce_sum3A_405[0, 0, 0] : f32 from vector<1x1x1xf32>
    %div3A_407 = arith.divf %reduce_sum3A_406, %reduce_sum3A_349 : f32
    %add3A_408 = arith.addf %add3A_304, %div3A_407 : f32
    %gt3A_409 = arith.constant 5.000000e-01 : f32
    %gt3A_410 = vector.broadcast %gt3A_409 : f32 to vector<1024x128xf32>
    %gt3A_411 = arith.cmpf ogt, %squeeze3A_344, %gt3A_410 : vector<1024x128xf32>
    %mul3A_412 = arith.constant 2.000000e+00 : f32
    %mul3A_413 = vector.broadcast %mul3A_412 : f32 to vector<1024x128xf32>
    %mul3A_414 = arith.mulf %mul3A_413, %exp3A_398 : vector<1024x128xf32>
    %sub3A_415 = arith.constant 2.000000e+00 : f32
    %sub3A_416 = vector.broadcast %sub3A_415 : f32 to vector<1024x128xf32>
    %sub3A_417 = arith.subf %sub3A_416, %mul3A_414 : vector<1024x128xf32>
    %mul3A_418 = arith.constant 2.000000e+00 : f32
    %mul3A_419 = vector.broadcast %mul3A_418 : f32 to vector<1024x128xf32>
    %mul3A_420 = arith.mulf %mul3A_419, %exp3A_398 : vector<1024x128xf32>
    %select_n3A_421 = arith.select %gt3A_411, %sub3A_417, %mul3A_420 : vector<1024x128xi1>, vector<1024x128xf32>
    %mul3A_422 = arith.constant 1.024000e+03 : f32
    %mul3A_423 = vector.broadcast %mul3A_422 : f32 to vector<1024x128xf32>
    %mul3A_424 = arith.mulf %select_n3A_421, %mul3A_423 : vector<1024x128xf32>
    %floor3A_425 = math.floor %mul3A_424 : vector<1024x128xf32>
    %jit3A_426 = arith.constant 0.000000e+00 : f32
    %jit3A_427 = arith.constant 2.047000e+03 : f32
    %max3A_428 = vector.broadcast %jit3A_426 : f32 to vector<1024x128xf32>
    %max3A_429 = arith.maximumf %max3A_428, %floor3A_425 : vector<1024x128xf32>
    %min3A_430 = vector.broadcast %jit3A_427 : f32 to vector<1024x128xf32>
    %min3A_431 = arith.minimumf %min3A_430, %max3A_429 : vector<1024x128xf32>
    %convert_element_type3A_432 = arith.fptosi %min3A_431 : vector<1024x128xf32> to vector<1024x128xi32>
    %convert_element_type3A_433 = arith.fptosi %squeeze3A_344 : vector<1024x128xf32> to vector<1024x128xi32>
    %mul3A_434 = arith.constant 2048 : i32
    %mul3A_435 = vector.broadcast %mul3A_434 : i32 to vector<1024x128xi32>
    %mul3A_436 = arith.muli %convert_element_type3A_433, %mul3A_435 : vector<1024x128xi32>
    %add3A_437 = arith.constant 12288 : i32
    %add3A_438 = vector.broadcast %add3A_437 : i32 to vector<1024x128xi32>
    %add3A_439 = arith.addi %add3A_438, %mul3A_436 : vector<1024x128xi32>
    %add3A_440 = arith.addi %add3A_439, %convert_element_type3A_432 : vector<1024x128xi32>
    %swap3A_441 = arith.constant 3 : index
    %swap3A_442 = arith.constant 0 : index
    %swap3A_443 = arith.constant 0 : index
    %swap3A_444 = vector.load %arg3[%swap3A_441, %swap3A_442, %swap3A_443] : memref<4x1024x128xi32, #tpu.memory_space<vmem>>, vector<1x1024x128xi32>
    %swap3A_445 = vector.shape_cast %swap3A_444 : vector<1x1024x128xi32> to vector<1024x128xi32>
    %swap3A_446 = vector.shape_cast %add3A_440 : vector<1024x128xi32> to vector<1x1024x128xi32>
    tpu.vector_store %arg3[%swap3A_441, %swap3A_442, %swap3A_443], %swap3A_446 {strides = array<i32>} : memref<4x1024x128xi32, #tpu.memory_space<vmem>>, vector<1x1024x128xi32>,
    %div3A_447 = arith.constant 4.000000e+00 : f32
    %div3A_448 = arith.divf %add3A_385, %div3A_447 : f32
    %mul3A_449 = arith.constant 1.000000e+01 : f32
    %mul3A_450 = arith.mulf %mul3A_449, %div3A_448 : f32
    %div3A_451 = arith.constant 5.000000e+00 : f32
    %div3A_452 = arith.divf %add3A_408, %div3A_451 : f32
    %add3A_453 = arith.addf %mul3A_450, %div3A_452 : f32
    %broadcast_in_dim3A_454 = vector.broadcast %add3A_453 : f32 to vector<8x128xf32>
    %swap3A_455 = arith.constant 0 : index
    %swap3A_456 = arith.constant 0 : index
    %swap3A_457 = vector.load %arg4[%swap3A_455, %swap3A_456] : memref<8x128xf32, #tpu.memory_space<vmem>>, vector<8x128xf32>
    tpu.vector_store %arg4[%swap3A_455, %swap3A_456], %broadcast_in_dim3A_454 {strides = array<i32>} : memref<8x128xf32, #tpu.memory_space<vmem>>, vector<8x128xf32>,
    return
  }
}

module attributes {stable_mosaic.version = 14 : i64} {
  func.func @_stage3_body(%arg0: memref<32x128x128xf32, #tpu.memory_space<vmem>>, %arg1: memref<8x128xf32, #tpu.memory_space<vmem>>, %arg2: memref<1x128xf32, #tpu.memory_space<vmem>>) attributes {dimension_semantics = [], scalar_prefetch = 0 : i64, scratch_operands = 0 : i64, tpu.core_type = #tpu.core_type<tc>} {
    %get3A = arith.constant 0 : index
    %get3A_0 = arith.constant 0 : index
    %get3A_1 = arith.constant 0 : index
    %get3A_2 = vector.load %arg0[%get3A, %get3A_0, %get3A_1] : memref<32x128x128xf32, #tpu.memory_space<vmem>>, vector<32x128x128xf32>
    %reduce_sum3A = arith.constant dense<0.000000e+00> : vector<128x128xf32>
    %reduce_sum3A_3 = vector.multi_reduction <add>, %get3A_2, %reduce_sum3A [0] : vector<32x128x128xf32> to vector<128x128xf32>
    %iota3A = tpu.iota {dimensions = array<i32: 0>} : vector<128x128xi32>
    %iota3A_4 = tpu.iota {dimensions = array<i32: 1>} : vector<128x128xi32>
    %le3A = arith.cmpi sle, %iota3A, %iota3A_4 : vector<128x128xi32>
    %convert_element_type3A = arith.extui %le3A : vector<128x128xi1> to vector<128x128xi32>
    %convert_element_type3A_5 = arith.sitofp %convert_element_type3A : vector<128x128xi32> to vector<128x128xf32>
    %iota3A_6 = tpu.iota {dimensions = array<i32: 0>} : vector<16x16xi32>
    %iota3A_7 = tpu.iota {dimensions = array<i32: 1>} : vector<16x16xi32>
    %lt3A = arith.cmpi slt, %iota3A_6, %iota3A_7 : vector<16x16xi32>
    %convert_element_type3A_8 = arith.extui %lt3A : vector<16x16xi1> to vector<16x16xi32>
    %convert_element_type3A_9 = arith.sitofp %convert_element_type3A_8 : vector<16x16xi32> to vector<16x16xf32>
    %iota3A_10 = tpu.iota {dimensions = array<i32: 0>} : vector<16x128xi32>
    %iota3A_11 = tpu.iota {dimensions = array<i32: 1>} : vector<16x128xi32>
    %mul3A = arith.constant 128 : i32
    %mul3A_12 = vector.broadcast %mul3A : i32 to vector<16x128xi32>
    %mul3A_13 = arith.muli %iota3A_10, %mul3A_12 : vector<16x128xi32>
    %add3A = arith.addi %mul3A_13, %iota3A_11 : vector<16x128xi32>
    %convert_element_type3A_14 = arith.sitofp %add3A : vector<16x128xi32> to vector<16x128xf32>
    %add3A_15 = arith.constant 5.000000e-01 : f32
    %add3A_16 = vector.broadcast %add3A_15 : f32 to vector<16x128xf32>
    %add3A_17 = arith.addf %convert_element_type3A_14, %add3A_16 : vector<16x128xf32>
    %mul3A_18 = arith.constant 9.765625E-4 : f32
    %mul3A_19 = vector.broadcast %mul3A_18 : f32 to vector<16x128xf32>
    %mul3A_20 = arith.mulf %add3A_17, %mul3A_19 : vector<16x128xf32>
    %slice3A = vector.extract_strided_slice %reduce_sum3A_3 {offsets = [0, 0], sizes = [16, 128], strides = [1, 1]} : vector<128x128xf32> to vector<16x128xf32>
    %slice3A_21 = vector.extract_strided_slice %reduce_sum3A_3 {offsets = [16, 0], sizes = [16, 128], strides = [1, 1]} : vector<128x128xf32> to vector<16x128xf32>
    %reduce_sum3A_22 = vector.shape_cast %slice3A_21 : vector<16x128xf32> to vector<1x16x128xf32>
    %reduce_sum3A_23 = arith.constant dense<0.000000e+00> : vector<1xf32>
    %reduce_sum3A_24 = vector.multi_reduction <add>, %reduce_sum3A_22, %reduce_sum3A_23 [1, 2] : vector<1x16x128xf32> to vector<1xf32>
    %reduce_sum3A_25 = vector.shape_cast %reduce_sum3A_24 : vector<1xf32> to vector<1x1x1xf32>
    %reduce_sum3A_26 = vector.extract %reduce_sum3A_25[0, 0, 0] : f32 from vector<1x1x1xf32>
    %reduce_sum3A_27 = vector.shape_cast %slice3A : vector<16x128xf32> to vector<1x16x128xf32>
    %reduce_sum3A_28 = arith.constant dense<0.000000e+00> : vector<1xf32>
    %reduce_sum3A_29 = vector.multi_reduction <add>, %reduce_sum3A_27, %reduce_sum3A_28 [1, 2] : vector<1x16x128xf32> to vector<1xf32>
    %reduce_sum3A_30 = vector.shape_cast %reduce_sum3A_29 : vector<1xf32> to vector<1x1x1xf32>
    %reduce_sum3A_31 = vector.extract %reduce_sum3A_30[0, 0, 0] : f32 from vector<1x1x1xf32>
    %dot_general3A = arith.constant dense<0.000000e+00> : vector<16x128xf32>
    %dot_general3A_32 = tpu.matmul %slice3A, %convert_element_type3A_5, %dot_general3A {dimension_numbers = #tpu.dot_dimension_numbers<[1], [0], [0], [1], [0, 0, 1, 1], [], []>, transpose_lhs_hint = false} : vector<16x128xf32>, vector<128x128xf32>, vector<16x128xf32> -> vector<16x128xf32>
    %reduce_sum3A_33 = arith.constant dense<0.000000e+00> : vector<16xf32>
    %reduce_sum3A_34 = vector.multi_reduction <add>, %slice3A, %reduce_sum3A_33 [1] : vector<16x128xf32> to vector<16xf32>
    %broadcast_in_dim3A = vector.shape_cast %reduce_sum3A_34 : vector<16xf32> to vector<1x16xf32>
    %dot_general3A_35 = arith.constant dense<0.000000e+00> : vector<1x16xf32>
    %dot_general3A_36 = tpu.matmul %broadcast_in_dim3A, %convert_element_type3A_9, %dot_general3A_35 {dimension_numbers = #tpu.dot_dimension_numbers<[1], [0], [0], [1], [0, 0, 1, 1], [], []>, transpose_lhs_hint = false} : vector<1x16xf32>, vector<16x16xf32>, vector<1x16xf32> -> vector<1x16xf32>
    %squeeze3A = vector.shape_cast %dot_general3A_36 : vector<1x16xf32> to vector<16xf32>
    %broadcast_in_dim3A_37 = vector.shape_cast %squeeze3A : vector<16xf32> to vector<16x1xf32>
    %add3A_38 = vector.broadcast %broadcast_in_dim3A_37 : vector<16x1xf32> to vector<16x128xf32>
    %add3A_39 = arith.addf %dot_general3A_32, %add3A_38 : vector<16x128xf32>
    %sub3A = vector.broadcast %reduce_sum3A_31 : f32 to vector<16x128xf32>
    %sub3A_40 = arith.subf %sub3A, %add3A_39 : vector<16x128xf32>
    %dot_general3A_41 = arith.constant dense<0.000000e+00> : vector<16x128xf32>
    %dot_general3A_42 = tpu.matmul %slice3A_21, %convert_element_type3A_5, %dot_general3A_41 {dimension_numbers = #tpu.dot_dimension_numbers<[1], [0], [0], [1], [0, 0, 1, 1], [], []>, transpose_lhs_hint = false} : vector<16x128xf32>, vector<128x128xf32>, vector<16x128xf32> -> vector<16x128xf32>
    %reduce_sum3A_43 = arith.constant dense<0.000000e+00> : vector<16xf32>
    %reduce_sum3A_44 = vector.multi_reduction <add>, %slice3A_21, %reduce_sum3A_43 [1] : vector<16x128xf32> to vector<16xf32>
    %broadcast_in_dim3A_45 = vector.shape_cast %reduce_sum3A_44 : vector<16xf32> to vector<1x16xf32>
    %dot_general3A_46 = arith.constant dense<0.000000e+00> : vector<1x16xf32>
    %dot_general3A_47 = tpu.matmul %broadcast_in_dim3A_45, %convert_element_type3A_9, %dot_general3A_46 {dimension_numbers = #tpu.dot_dimension_numbers<[1], [0], [0], [1], [0, 0, 1, 1], [], []>, transpose_lhs_hint = false} : vector<1x16xf32>, vector<16x16xf32>, vector<1x16xf32> -> vector<1x16xf32>
    %squeeze3A_48 = vector.shape_cast %dot_general3A_47 : vector<1x16xf32> to vector<16xf32>
    %broadcast_in_dim3A_49 = vector.shape_cast %squeeze3A_48 : vector<16xf32> to vector<16x1xf32>
    %add3A_50 = vector.broadcast %broadcast_in_dim3A_49 : vector<16x1xf32> to vector<16x128xf32>
    %add3A_51 = arith.addf %dot_general3A_42, %add3A_50 : vector<16x128xf32>
    %sub3A_52 = vector.broadcast %reduce_sum3A_26 : f32 to vector<16x128xf32>
    %sub3A_53 = arith.subf %sub3A_52, %add3A_51 : vector<16x128xf32>
    %mul3A_54 = arith.mulf %mul3A_20, %slice3A_21 : vector<16x128xf32>
    %add3A_55 = vector.broadcast %reduce_sum3A_26 : f32 to vector<16x128xf32>
    %add3A_56 = arith.addf %add3A_55, %sub3A_40 : vector<16x128xf32>
    %div3A = arith.divf %mul3A_54, %add3A_56 : vector<16x128xf32>
    %reduce_sum3A_57 = vector.shape_cast %div3A : vector<16x128xf32> to vector<1x16x128xf32>
    %reduce_sum3A_58 = arith.constant dense<0.000000e+00> : vector<1xf32>
    %reduce_sum3A_59 = vector.multi_reduction <add>, %reduce_sum3A_57, %reduce_sum3A_58 [1, 2] : vector<1x16x128xf32> to vector<1xf32>
    %reduce_sum3A_60 = vector.shape_cast %reduce_sum3A_59 : vector<1xf32> to vector<1x1x1xf32>
    %reduce_sum3A_61 = vector.extract %reduce_sum3A_60[0, 0, 0] : f32 from vector<1x1x1xf32>
    %add3A_62 = vector.broadcast %reduce_sum3A_26 : f32 to vector<16x128xf32>
    %add3A_63 = arith.addf %add3A_62, %sub3A_40 : vector<16x128xf32>
    %add3A_64 = vector.broadcast %reduce_sum3A_26 : f32 to vector<16x128xf32>
    %add3A_65 = arith.addf %add3A_64, %sub3A_40 : vector<16x128xf32>
    %add3A_66 = arith.addf %add3A_65, %slice3A : vector<16x128xf32>
    %mul3A_67 = arith.mulf %add3A_63, %add3A_66 : vector<16x128xf32>
    %sub3A_68 = vector.broadcast %reduce_sum3A_26 : f32 to vector<16x128xf32>
    %sub3A_69 = arith.subf %sub3A_68, %sub3A_53 : vector<16x128xf32>
    %sub3A_70 = arith.subf %sub3A_69, %slice3A_21 : vector<16x128xf32>
    %mul3A_71 = arith.mulf %mul3A_20, %sub3A_70 : vector<16x128xf32>
    %mul3A_72 = arith.mulf %mul3A_71, %slice3A : vector<16x128xf32>
    %div3A_73 = arith.divf %mul3A_72, %mul3A_67 : vector<16x128xf32>
    %reduce_sum3A_74 = vector.shape_cast %div3A_73 : vector<16x128xf32> to vector<1x16x128xf32>
    %reduce_sum3A_75 = arith.constant dense<0.000000e+00> : vector<1xf32>
    %reduce_sum3A_76 = vector.multi_reduction <add>, %reduce_sum3A_74, %reduce_sum3A_75 [1, 2] : vector<1x16x128xf32> to vector<1xf32>
    %reduce_sum3A_77 = vector.shape_cast %reduce_sum3A_76 : vector<1xf32> to vector<1x1x1xf32>
    %reduce_sum3A_78 = vector.extract %reduce_sum3A_77[0, 0, 0] : f32 from vector<1x1x1xf32>
    %add3A_79 = arith.constant 0.000000e+00 : f32
    %add3A_80 = arith.addf %add3A_79, %reduce_sum3A_61 : f32
    %add3A_81 = arith.addf %add3A_80, %reduce_sum3A_78 : f32
    %slice3A_82 = vector.extract_strided_slice %reduce_sum3A_3 {offsets = [32, 0], sizes = [16, 128], strides = [1, 1]} : vector<128x128xf32> to vector<16x128xf32>
    %slice3A_83 = vector.extract_strided_slice %reduce_sum3A_3 {offsets = [48, 0], sizes = [16, 128], strides = [1, 1]} : vector<128x128xf32> to vector<16x128xf32>
    %reduce_sum3A_84 = vector.shape_cast %slice3A_83 : vector<16x128xf32> to vector<1x16x128xf32>
    %reduce_sum3A_85 = arith.constant dense<0.000000e+00> : vector<1xf32>
    %reduce_sum3A_86 = vector.multi_reduction <add>, %reduce_sum3A_84, %reduce_sum3A_85 [1, 2] : vector<1x16x128xf32> to vector<1xf32>
    %reduce_sum3A_87 = vector.shape_cast %reduce_sum3A_86 : vector<1xf32> to vector<1x1x1xf32>
    %reduce_sum3A_88 = vector.extract %reduce_sum3A_87[0, 0, 0] : f32 from vector<1x1x1xf32>
    %reduce_sum3A_89 = vector.shape_cast %slice3A_82 : vector<16x128xf32> to vector<1x16x128xf32>
    %reduce_sum3A_90 = arith.constant dense<0.000000e+00> : vector<1xf32>
    %reduce_sum3A_91 = vector.multi_reduction <add>, %reduce_sum3A_89, %reduce_sum3A_90 [1, 2] : vector<1x16x128xf32> to vector<1xf32>
    %reduce_sum3A_92 = vector.shape_cast %reduce_sum3A_91 : vector<1xf32> to vector<1x1x1xf32>
    %reduce_sum3A_93 = vector.extract %reduce_sum3A_92[0, 0, 0] : f32 from vector<1x1x1xf32>
    %dot_general3A_94 = arith.constant dense<0.000000e+00> : vector<16x128xf32>
    %dot_general3A_95 = tpu.matmul %slice3A_82, %convert_element_type3A_5, %dot_general3A_94 {dimension_numbers = #tpu.dot_dimension_numbers<[1], [0], [0], [1], [0, 0, 1, 1], [], []>, transpose_lhs_hint = false} : vector<16x128xf32>, vector<128x128xf32>, vector<16x128xf32> -> vector<16x128xf32>
    %reduce_sum3A_96 = arith.constant dense<0.000000e+00> : vector<16xf32>
    %reduce_sum3A_97 = vector.multi_reduction <add>, %slice3A_82, %reduce_sum3A_96 [1] : vector<16x128xf32> to vector<16xf32>
    %broadcast_in_dim3A_98 = vector.shape_cast %reduce_sum3A_97 : vector<16xf32> to vector<1x16xf32>
    %dot_general3A_99 = arith.constant dense<0.000000e+00> : vector<1x16xf32>
    %dot_general3A_100 = tpu.matmul %broadcast_in_dim3A_98, %convert_element_type3A_9, %dot_general3A_99 {dimension_numbers = #tpu.dot_dimension_numbers<[1], [0], [0], [1], [0, 0, 1, 1], [], []>, transpose_lhs_hint = false} : vector<1x16xf32>, vector<16x16xf32>, vector<1x16xf32> -> vector<1x16xf32>
    %squeeze3A_101 = vector.shape_cast %dot_general3A_100 : vector<1x16xf32> to vector<16xf32>
    %broadcast_in_dim3A_102 = vector.shape_cast %squeeze3A_101 : vector<16xf32> to vector<16x1xf32>
    %add3A_103 = vector.broadcast %broadcast_in_dim3A_102 : vector<16x1xf32> to vector<16x128xf32>
    %add3A_104 = arith.addf %dot_general3A_95, %add3A_103 : vector<16x128xf32>
    %sub3A_105 = vector.broadcast %reduce_sum3A_93 : f32 to vector<16x128xf32>
    %sub3A_106 = arith.subf %sub3A_105, %add3A_104 : vector<16x128xf32>
    %dot_general3A_107 = arith.constant dense<0.000000e+00> : vector<16x128xf32>
    %dot_general3A_108 = tpu.matmul %slice3A_83, %convert_element_type3A_5, %dot_general3A_107 {dimension_numbers = #tpu.dot_dimension_numbers<[1], [0], [0], [1], [0, 0, 1, 1], [], []>, transpose_lhs_hint = false} : vector<16x128xf32>, vector<128x128xf32>, vector<16x128xf32> -> vector<16x128xf32>
    %reduce_sum3A_109 = arith.constant dense<0.000000e+00> : vector<16xf32>
    %reduce_sum3A_110 = vector.multi_reduction <add>, %slice3A_83, %reduce_sum3A_109 [1] : vector<16x128xf32> to vector<16xf32>
    %broadcast_in_dim3A_111 = vector.shape_cast %reduce_sum3A_110 : vector<16xf32> to vector<1x16xf32>
    %dot_general3A_112 = arith.constant dense<0.000000e+00> : vector<1x16xf32>
    %dot_general3A_113 = tpu.matmul %broadcast_in_dim3A_111, %convert_element_type3A_9, %dot_general3A_112 {dimension_numbers = #tpu.dot_dimension_numbers<[1], [0], [0], [1], [0, 0, 1, 1], [], []>, transpose_lhs_hint = false} : vector<1x16xf32>, vector<16x16xf32>, vector<1x16xf32> -> vector<1x16xf32>
    %squeeze3A_114 = vector.shape_cast %dot_general3A_113 : vector<1x16xf32> to vector<16xf32>
    %broadcast_in_dim3A_115 = vector.shape_cast %squeeze3A_114 : vector<16xf32> to vector<16x1xf32>
    %add3A_116 = vector.broadcast %broadcast_in_dim3A_115 : vector<16x1xf32> to vector<16x128xf32>
    %add3A_117 = arith.addf %dot_general3A_108, %add3A_116 : vector<16x128xf32>
    %sub3A_118 = vector.broadcast %reduce_sum3A_88 : f32 to vector<16x128xf32>
    %sub3A_119 = arith.subf %sub3A_118, %add3A_117 : vector<16x128xf32>
    %mul3A_120 = arith.mulf %mul3A_20, %slice3A_83 : vector<16x128xf32>
    %add3A_121 = vector.broadcast %reduce_sum3A_88 : f32 to vector<16x128xf32>
    %add3A_122 = arith.addf %add3A_121, %sub3A_106 : vector<16x128xf32>
    %div3A_123 = arith.divf %mul3A_120, %add3A_122 : vector<16x128xf32>
    %reduce_sum3A_124 = vector.shape_cast %div3A_123 : vector<16x128xf32> to vector<1x16x128xf32>
    %reduce_sum3A_125 = arith.constant dense<0.000000e+00> : vector<1xf32>
    %reduce_sum3A_126 = vector.multi_reduction <add>, %reduce_sum3A_124, %reduce_sum3A_125 [1, 2] : vector<1x16x128xf32> to vector<1xf32>
    %reduce_sum3A_127 = vector.shape_cast %reduce_sum3A_126 : vector<1xf32> to vector<1x1x1xf32>
    %reduce_sum3A_128 = vector.extract %reduce_sum3A_127[0, 0, 0] : f32 from vector<1x1x1xf32>
    %add3A_129 = vector.broadcast %reduce_sum3A_88 : f32 to vector<16x128xf32>
    %add3A_130 = arith.addf %add3A_129, %sub3A_106 : vector<16x128xf32>
    %add3A_131 = vector.broadcast %reduce_sum3A_88 : f32 to vector<16x128xf32>
    %add3A_132 = arith.addf %add3A_131, %sub3A_106 : vector<16x128xf32>
    %add3A_133 = arith.addf %add3A_132, %slice3A_82 : vector<16x128xf32>
    %mul3A_134 = arith.mulf %add3A_130, %add3A_133 : vector<16x128xf32>
    %sub3A_135 = vector.broadcast %reduce_sum3A_88 : f32 to vector<16x128xf32>
    %sub3A_136 = arith.subf %sub3A_135, %sub3A_119 : vector<16x128xf32>
    %sub3A_137 = arith.subf %sub3A_136, %slice3A_83 : vector<16x128xf32>
    %mul3A_138 = arith.mulf %mul3A_20, %sub3A_137 : vector<16x128xf32>
    %mul3A_139 = arith.mulf %mul3A_138, %slice3A_82 : vector<16x128xf32>
    %div3A_140 = arith.divf %mul3A_139, %mul3A_134 : vector<16x128xf32>
    %reduce_sum3A_141 = vector.shape_cast %div3A_140 : vector<16x128xf32> to vector<1x16x128xf32>
    %reduce_sum3A_142 = arith.constant dense<0.000000e+00> : vector<1xf32>
    %reduce_sum3A_143 = vector.multi_reduction <add>, %reduce_sum3A_141, %reduce_sum3A_142 [1, 2] : vector<1x16x128xf32> to vector<1xf32>
    %reduce_sum3A_144 = vector.shape_cast %reduce_sum3A_143 : vector<1xf32> to vector<1x1x1xf32>
    %reduce_sum3A_145 = vector.extract %reduce_sum3A_144[0, 0, 0] : f32 from vector<1x1x1xf32>
    %add3A_146 = arith.addf %add3A_81, %reduce_sum3A_128 : f32
    %add3A_147 = arith.addf %add3A_146, %reduce_sum3A_145 : f32
    %slice3A_148 = vector.extract_strided_slice %reduce_sum3A_3 {offsets = [64, 0], sizes = [16, 128], strides = [1, 1]} : vector<128x128xf32> to vector<16x128xf32>
    %slice3A_149 = vector.extract_strided_slice %reduce_sum3A_3 {offsets = [80, 0], sizes = [16, 128], strides = [1, 1]} : vector<128x128xf32> to vector<16x128xf32>
    %reduce_sum3A_150 = vector.shape_cast %slice3A_149 : vector<16x128xf32> to vector<1x16x128xf32>
    %reduce_sum3A_151 = arith.constant dense<0.000000e+00> : vector<1xf32>
    %reduce_sum3A_152 = vector.multi_reduction <add>, %reduce_sum3A_150, %reduce_sum3A_151 [1, 2] : vector<1x16x128xf32> to vector<1xf32>
    %reduce_sum3A_153 = vector.shape_cast %reduce_sum3A_152 : vector<1xf32> to vector<1x1x1xf32>
    %reduce_sum3A_154 = vector.extract %reduce_sum3A_153[0, 0, 0] : f32 from vector<1x1x1xf32>
    %reduce_sum3A_155 = vector.shape_cast %slice3A_148 : vector<16x128xf32> to vector<1x16x128xf32>
    %reduce_sum3A_156 = arith.constant dense<0.000000e+00> : vector<1xf32>
    %reduce_sum3A_157 = vector.multi_reduction <add>, %reduce_sum3A_155, %reduce_sum3A_156 [1, 2] : vector<1x16x128xf32> to vector<1xf32>
    %reduce_sum3A_158 = vector.shape_cast %reduce_sum3A_157 : vector<1xf32> to vector<1x1x1xf32>
    %reduce_sum3A_159 = vector.extract %reduce_sum3A_158[0, 0, 0] : f32 from vector<1x1x1xf32>
    %dot_general3A_160 = arith.constant dense<0.000000e+00> : vector<16x128xf32>
    %dot_general3A_161 = tpu.matmul %slice3A_148, %convert_element_type3A_5, %dot_general3A_160 {dimension_numbers = #tpu.dot_dimension_numbers<[1], [0], [0], [1], [0, 0, 1, 1], [], []>, transpose_lhs_hint = false} : vector<16x128xf32>, vector<128x128xf32>, vector<16x128xf32> -> vector<16x128xf32>
    %reduce_sum3A_162 = arith.constant dense<0.000000e+00> : vector<16xf32>
    %reduce_sum3A_163 = vector.multi_reduction <add>, %slice3A_148, %reduce_sum3A_162 [1] : vector<16x128xf32> to vector<16xf32>
    %broadcast_in_dim3A_164 = vector.shape_cast %reduce_sum3A_163 : vector<16xf32> to vector<1x16xf32>
    %dot_general3A_165 = arith.constant dense<0.000000e+00> : vector<1x16xf32>
    %dot_general3A_166 = tpu.matmul %broadcast_in_dim3A_164, %convert_element_type3A_9, %dot_general3A_165 {dimension_numbers = #tpu.dot_dimension_numbers<[1], [0], [0], [1], [0, 0, 1, 1], [], []>, transpose_lhs_hint = false} : vector<1x16xf32>, vector<16x16xf32>, vector<1x16xf32> -> vector<1x16xf32>
    %squeeze3A_167 = vector.shape_cast %dot_general3A_166 : vector<1x16xf32> to vector<16xf32>
    %broadcast_in_dim3A_168 = vector.shape_cast %squeeze3A_167 : vector<16xf32> to vector<16x1xf32>
    %add3A_169 = vector.broadcast %broadcast_in_dim3A_168 : vector<16x1xf32> to vector<16x128xf32>
    %add3A_170 = arith.addf %dot_general3A_161, %add3A_169 : vector<16x128xf32>
    %sub3A_171 = vector.broadcast %reduce_sum3A_159 : f32 to vector<16x128xf32>
    %sub3A_172 = arith.subf %sub3A_171, %add3A_170 : vector<16x128xf32>
    %dot_general3A_173 = arith.constant dense<0.000000e+00> : vector<16x128xf32>
    %dot_general3A_174 = tpu.matmul %slice3A_149, %convert_element_type3A_5, %dot_general3A_173 {dimension_numbers = #tpu.dot_dimension_numbers<[1], [0], [0], [1], [0, 0, 1, 1], [], []>, transpose_lhs_hint = false} : vector<16x128xf32>, vector<128x128xf32>, vector<16x128xf32> -> vector<16x128xf32>
    %reduce_sum3A_175 = arith.constant dense<0.000000e+00> : vector<16xf32>
    %reduce_sum3A_176 = vector.multi_reduction <add>, %slice3A_149, %reduce_sum3A_175 [1] : vector<16x128xf32> to vector<16xf32>
    %broadcast_in_dim3A_177 = vector.shape_cast %reduce_sum3A_176 : vector<16xf32> to vector<1x16xf32>
    %dot_general3A_178 = arith.constant dense<0.000000e+00> : vector<1x16xf32>
    %dot_general3A_179 = tpu.matmul %broadcast_in_dim3A_177, %convert_element_type3A_9, %dot_general3A_178 {dimension_numbers = #tpu.dot_dimension_numbers<[1], [0], [0], [1], [0, 0, 1, 1], [], []>, transpose_lhs_hint = false} : vector<1x16xf32>, vector<16x16xf32>, vector<1x16xf32> -> vector<1x16xf32>
    %squeeze3A_180 = vector.shape_cast %dot_general3A_179 : vector<1x16xf32> to vector<16xf32>
    %broadcast_in_dim3A_181 = vector.shape_cast %squeeze3A_180 : vector<16xf32> to vector<16x1xf32>
    %add3A_182 = vector.broadcast %broadcast_in_dim3A_181 : vector<16x1xf32> to vector<16x128xf32>
    %add3A_183 = arith.addf %dot_general3A_174, %add3A_182 : vector<16x128xf32>
    %sub3A_184 = vector.broadcast %reduce_sum3A_154 : f32 to vector<16x128xf32>
    %sub3A_185 = arith.subf %sub3A_184, %add3A_183 : vector<16x128xf32>
    %mul3A_186 = arith.mulf %mul3A_20, %slice3A_149 : vector<16x128xf32>
    %add3A_187 = vector.broadcast %reduce_sum3A_154 : f32 to vector<16x128xf32>
    %add3A_188 = arith.addf %add3A_187, %sub3A_172 : vector<16x128xf32>
    %div3A_189 = arith.divf %mul3A_186, %add3A_188 : vector<16x128xf32>
    %reduce_sum3A_190 = vector.shape_cast %div3A_189 : vector<16x128xf32> to vector<1x16x128xf32>
    %reduce_sum3A_191 = arith.constant dense<0.000000e+00> : vector<1xf32>
    %reduce_sum3A_192 = vector.multi_reduction <add>, %reduce_sum3A_190, %reduce_sum3A_191 [1, 2] : vector<1x16x128xf32> to vector<1xf32>
    %reduce_sum3A_193 = vector.shape_cast %reduce_sum3A_192 : vector<1xf32> to vector<1x1x1xf32>
    %reduce_sum3A_194 = vector.extract %reduce_sum3A_193[0, 0, 0] : f32 from vector<1x1x1xf32>
    %add3A_195 = vector.broadcast %reduce_sum3A_154 : f32 to vector<16x128xf32>
    %add3A_196 = arith.addf %add3A_195, %sub3A_172 : vector<16x128xf32>
    %add3A_197 = vector.broadcast %reduce_sum3A_154 : f32 to vector<16x128xf32>
    %add3A_198 = arith.addf %add3A_197, %sub3A_172 : vector<16x128xf32>
    %add3A_199 = arith.addf %add3A_198, %slice3A_148 : vector<16x128xf32>
    %mul3A_200 = arith.mulf %add3A_196, %add3A_199 : vector<16x128xf32>
    %sub3A_201 = vector.broadcast %reduce_sum3A_154 : f32 to vector<16x128xf32>
    %sub3A_202 = arith.subf %sub3A_201, %sub3A_185 : vector<16x128xf32>
    %sub3A_203 = arith.subf %sub3A_202, %slice3A_149 : vector<16x128xf32>
    %mul3A_204 = arith.mulf %mul3A_20, %sub3A_203 : vector<16x128xf32>
    %mul3A_205 = arith.mulf %mul3A_204, %slice3A_148 : vector<16x128xf32>
    %div3A_206 = arith.divf %mul3A_205, %mul3A_200 : vector<16x128xf32>
    %reduce_sum3A_207 = vector.shape_cast %div3A_206 : vector<16x128xf32> to vector<1x16x128xf32>
    %reduce_sum3A_208 = arith.constant dense<0.000000e+00> : vector<1xf32>
    %reduce_sum3A_209 = vector.multi_reduction <add>, %reduce_sum3A_207, %reduce_sum3A_208 [1, 2] : vector<1x16x128xf32> to vector<1xf32>
    %reduce_sum3A_210 = vector.shape_cast %reduce_sum3A_209 : vector<1xf32> to vector<1x1x1xf32>
    %reduce_sum3A_211 = vector.extract %reduce_sum3A_210[0, 0, 0] : f32 from vector<1x1x1xf32>
    %add3A_212 = arith.addf %add3A_147, %reduce_sum3A_194 : f32
    %add3A_213 = arith.addf %add3A_212, %reduce_sum3A_211 : f32
    %slice3A_214 = vector.extract_strided_slice %reduce_sum3A_3 {offsets = [96, 0], sizes = [16, 128], strides = [1, 1]} : vector<128x128xf32> to vector<16x128xf32>
    %slice3A_215 = vector.extract_strided_slice %reduce_sum3A_3 {offsets = [112, 0], sizes = [16, 128], strides = [1, 1]} : vector<128x128xf32> to vector<16x128xf32>
    %reduce_sum3A_216 = vector.shape_cast %slice3A_215 : vector<16x128xf32> to vector<1x16x128xf32>
    %reduce_sum3A_217 = arith.constant dense<0.000000e+00> : vector<1xf32>
    %reduce_sum3A_218 = vector.multi_reduction <add>, %reduce_sum3A_216, %reduce_sum3A_217 [1, 2] : vector<1x16x128xf32> to vector<1xf32>
    %reduce_sum3A_219 = vector.shape_cast %reduce_sum3A_218 : vector<1xf32> to vector<1x1x1xf32>
    %reduce_sum3A_220 = vector.extract %reduce_sum3A_219[0, 0, 0] : f32 from vector<1x1x1xf32>
    %reduce_sum3A_221 = vector.shape_cast %slice3A_214 : vector<16x128xf32> to vector<1x16x128xf32>
    %reduce_sum3A_222 = arith.constant dense<0.000000e+00> : vector<1xf32>
    %reduce_sum3A_223 = vector.multi_reduction <add>, %reduce_sum3A_221, %reduce_sum3A_222 [1, 2] : vector<1x16x128xf32> to vector<1xf32>
    %reduce_sum3A_224 = vector.shape_cast %reduce_sum3A_223 : vector<1xf32> to vector<1x1x1xf32>
    %reduce_sum3A_225 = vector.extract %reduce_sum3A_224[0, 0, 0] : f32 from vector<1x1x1xf32>
    %dot_general3A_226 = arith.constant dense<0.000000e+00> : vector<16x128xf32>
    %dot_general3A_227 = tpu.matmul %slice3A_214, %convert_element_type3A_5, %dot_general3A_226 {dimension_numbers = #tpu.dot_dimension_numbers<[1], [0], [0], [1], [0, 0, 1, 1], [], []>, transpose_lhs_hint = false} : vector<16x128xf32>, vector<128x128xf32>, vector<16x128xf32> -> vector<16x128xf32>
    %reduce_sum3A_228 = arith.constant dense<0.000000e+00> : vector<16xf32>
    %reduce_sum3A_229 = vector.multi_reduction <add>, %slice3A_214, %reduce_sum3A_228 [1] : vector<16x128xf32> to vector<16xf32>
    %broadcast_in_dim3A_230 = vector.shape_cast %reduce_sum3A_229 : vector<16xf32> to vector<1x16xf32>
    %dot_general3A_231 = arith.constant dense<0.000000e+00> : vector<1x16xf32>
    %dot_general3A_232 = tpu.matmul %broadcast_in_dim3A_230, %convert_element_type3A_9, %dot_general3A_231 {dimension_numbers = #tpu.dot_dimension_numbers<[1], [0], [0], [1], [0, 0, 1, 1], [], []>, transpose_lhs_hint = false} : vector<1x16xf32>, vector<16x16xf32>, vector<1x16xf32> -> vector<1x16xf32>
    %squeeze3A_233 = vector.shape_cast %dot_general3A_232 : vector<1x16xf32> to vector<16xf32>
    %broadcast_in_dim3A_234 = vector.shape_cast %squeeze3A_233 : vector<16xf32> to vector<16x1xf32>
    %add3A_235 = vector.broadcast %broadcast_in_dim3A_234 : vector<16x1xf32> to vector<16x128xf32>
    %add3A_236 = arith.addf %dot_general3A_227, %add3A_235 : vector<16x128xf32>
    %sub3A_237 = vector.broadcast %reduce_sum3A_225 : f32 to vector<16x128xf32>
    %sub3A_238 = arith.subf %sub3A_237, %add3A_236 : vector<16x128xf32>
    %dot_general3A_239 = arith.constant dense<0.000000e+00> : vector<16x128xf32>
    %dot_general3A_240 = tpu.matmul %slice3A_215, %convert_element_type3A_5, %dot_general3A_239 {dimension_numbers = #tpu.dot_dimension_numbers<[1], [0], [0], [1], [0, 0, 1, 1], [], []>, transpose_lhs_hint = false} : vector<16x128xf32>, vector<128x128xf32>, vector<16x128xf32> -> vector<16x128xf32>
    %reduce_sum3A_241 = arith.constant dense<0.000000e+00> : vector<16xf32>
    %reduce_sum3A_242 = vector.multi_reduction <add>, %slice3A_215, %reduce_sum3A_241 [1] : vector<16x128xf32> to vector<16xf32>
    %broadcast_in_dim3A_243 = vector.shape_cast %reduce_sum3A_242 : vector<16xf32> to vector<1x16xf32>
    %dot_general3A_244 = arith.constant dense<0.000000e+00> : vector<1x16xf32>
    %dot_general3A_245 = tpu.matmul %broadcast_in_dim3A_243, %convert_element_type3A_9, %dot_general3A_244 {dimension_numbers = #tpu.dot_dimension_numbers<[1], [0], [0], [1], [0, 0, 1, 1], [], []>, transpose_lhs_hint = false} : vector<1x16xf32>, vector<16x16xf32>, vector<1x16xf32> -> vector<1x16xf32>
    %squeeze3A_246 = vector.shape_cast %dot_general3A_245 : vector<1x16xf32> to vector<16xf32>
    %broadcast_in_dim3A_247 = vector.shape_cast %squeeze3A_246 : vector<16xf32> to vector<16x1xf32>
    %add3A_248 = vector.broadcast %broadcast_in_dim3A_247 : vector<16x1xf32> to vector<16x128xf32>
    %add3A_249 = arith.addf %dot_general3A_240, %add3A_248 : vector<16x128xf32>
    %sub3A_250 = vector.broadcast %reduce_sum3A_220 : f32 to vector<16x128xf32>
    %sub3A_251 = arith.subf %sub3A_250, %add3A_249 : vector<16x128xf32>
    %mul3A_252 = arith.mulf %mul3A_20, %slice3A_215 : vector<16x128xf32>
    %add3A_253 = vector.broadcast %reduce_sum3A_220 : f32 to vector<16x128xf32>
    %add3A_254 = arith.addf %add3A_253, %sub3A_238 : vector<16x128xf32>
    %div3A_255 = arith.divf %mul3A_252, %add3A_254 : vector<16x128xf32>
    %reduce_sum3A_256 = vector.shape_cast %div3A_255 : vector<16x128xf32> to vector<1x16x128xf32>
    %reduce_sum3A_257 = arith.constant dense<0.000000e+00> : vector<1xf32>
    %reduce_sum3A_258 = vector.multi_reduction <add>, %reduce_sum3A_256, %reduce_sum3A_257 [1, 2] : vector<1x16x128xf32> to vector<1xf32>
    %reduce_sum3A_259 = vector.shape_cast %reduce_sum3A_258 : vector<1xf32> to vector<1x1x1xf32>
    %reduce_sum3A_260 = vector.extract %reduce_sum3A_259[0, 0, 0] : f32 from vector<1x1x1xf32>
    %add3A_261 = vector.broadcast %reduce_sum3A_220 : f32 to vector<16x128xf32>
    %add3A_262 = arith.addf %add3A_261, %sub3A_238 : vector<16x128xf32>
    %add3A_263 = vector.broadcast %reduce_sum3A_220 : f32 to vector<16x128xf32>
    %add3A_264 = arith.addf %add3A_263, %sub3A_238 : vector<16x128xf32>
    %add3A_265 = arith.addf %add3A_264, %slice3A_214 : vector<16x128xf32>
    %mul3A_266 = arith.mulf %add3A_262, %add3A_265 : vector<16x128xf32>
    %sub3A_267 = vector.broadcast %reduce_sum3A_220 : f32 to vector<16x128xf32>
    %sub3A_268 = arith.subf %sub3A_267, %sub3A_251 : vector<16x128xf32>
    %sub3A_269 = arith.subf %sub3A_268, %slice3A_215 : vector<16x128xf32>
    %mul3A_270 = arith.mulf %mul3A_20, %sub3A_269 : vector<16x128xf32>
    %mul3A_271 = arith.mulf %mul3A_270, %slice3A_214 : vector<16x128xf32>
    %div3A_272 = arith.divf %mul3A_271, %mul3A_266 : vector<16x128xf32>
    %reduce_sum3A_273 = vector.shape_cast %div3A_272 : vector<16x128xf32> to vector<1x16x128xf32>
    %reduce_sum3A_274 = arith.constant dense<0.000000e+00> : vector<1xf32>
    %reduce_sum3A_275 = vector.multi_reduction <add>, %reduce_sum3A_273, %reduce_sum3A_274 [1, 2] : vector<1x16x128xf32> to vector<1xf32>
    %reduce_sum3A_276 = vector.shape_cast %reduce_sum3A_275 : vector<1xf32> to vector<1x1x1xf32>
    %reduce_sum3A_277 = vector.extract %reduce_sum3A_276[0, 0, 0] : f32 from vector<1x1x1xf32>
    %add3A_278 = arith.addf %add3A_213, %reduce_sum3A_260 : f32
    %add3A_279 = arith.addf %add3A_278, %reduce_sum3A_277 : f32
    %div3A_280 = arith.constant 4.000000e+00 : f32
    %div3A_281 = arith.divf %add3A_279, %div3A_280 : f32
    %get3A_282 = arith.constant 0 : index
    %get3A_283 = arith.constant 0 : index
    %get3A_284 = vector.load %arg1[%get3A_282, %get3A_283] : memref<8x128xf32, #tpu.memory_space<vmem>>, vector<8x128xf32>
    %reduce_sum3A_285 = vector.shape_cast %get3A_284 : vector<8x128xf32> to vector<1x8x128xf32>
    %reduce_sum3A_286 = arith.constant dense<0.000000e+00> : vector<1xf32>
    %reduce_sum3A_287 = vector.multi_reduction <add>, %reduce_sum3A_285, %reduce_sum3A_286 [1, 2] : vector<1x8x128xf32> to vector<1xf32>
    %reduce_sum3A_288 = vector.shape_cast %reduce_sum3A_287 : vector<1xf32> to vector<1x1x1xf32>
    %reduce_sum3A_289 = vector.extract %reduce_sum3A_288[0, 0, 0] : f32 from vector<1x1x1xf32>
    %div3A_290 = arith.constant 1.024000e+03 : f32
    %div3A_291 = arith.divf %reduce_sum3A_289, %div3A_290 : f32
    %add3A_292 = arith.addf %div3A_281, %div3A_291 : f32
    %broadcast_in_dim3A_293 = vector.broadcast %add3A_292 : f32 to vector<1x128xf32>
    %swap3A = arith.constant 0 : index
    %swap3A_294 = arith.constant 0 : index
    %swap3A_295 = vector.load %arg2[%swap3A, %swap3A_294] : memref<1x128xf32, #tpu.memory_space<vmem>>, vector<1x128xf32>
    tpu.vector_store %arg2[%swap3A, %swap3A_294], %broadcast_in_dim3A_293 {strides = array<i32>} : memref<1x128xf32, #tpu.memory_space<vmem>>, vector<1x128xf32>,
    return
  }
}

</mosaic_0001>

<sc_bundles>
// kernel: kernel.5.cloned.1.call-start
scs
__scs_entry_jumppad:
0x0: {  	(pc) =	sbr.rel $0x88, $3  }
0x1: {  	(tag) =	ssettag $0x0;
	lr =	simm.s32 $0x1  }
0x2: {  	[smem:$0x3F9E] =	sst lr;
	_ =	strace $0xD0000000  }
0x3: {  	_ = 	snop  }
0x4: {  	_ = 	snop  }
0x5: {  	_ = 	snop  }
0x6: {  	_ = 	snop  }
0x7: {  	_ = 	snop  }
__scs_overlays_trampoline_lowered:
0x8: {  	[smem:$0x3FAD] =	sst s0  }
0x9: {  	[smem:$0x3FAE] =	sst s1  }
0xa: {  	[smem:$0x3FAF] =	sst s2  }
0xb: {  	[smem:$0x3FB0] =	sst s3  }
0xc: {  	[smem:$0x3FB1] =	sst s4  }
0xd: {  	[smem:$0x3FB2] =	sst s5  }
0xe: {  	[smem:$0x3FB3] =	sst s6  }
0xf: {  	[smem:$0x3FB4] =	sst s7  }
0x10: {  	[smem:$0x3FB5] =	sst s8  }
0x11: {  	[smem:$0x3FB6] =	sst s9;
	s0 =	simm.s32 @!p0 $0x0  }
0x12: {  	s1 =	sld [smem:$0x3F9C];
	s0 =	simm.s32 @p0 $0x1  }
0x13: {  	[smem:$0x3FB7] =	sst s0;
	s0 =	simm.s32 @!p1 $0x0  }
0x14: {  	s2 =	sld [smem:$0x3F9B];
	s0 =	simm.s32 @p1 $0x1  }
0x15: {  	[smem:$0x3FB8] =	sst s0;
	s0 =	simm.s32 @!p2 $0x0  }
0x16: {  	s3 =	sld [smem:$0x3FDB];
	s0 =	simm.s32 @p2 $0x1  }
0x17: {  	s4 =	simm.s32 $0x1BF5;
	[smem:$0x3FBA] =	sst s0  }
0x18: {  	s0 =	sld [smem:$0x3F9D];
	_ =	swait.ge [sflag:s4], $0x0  }
0x19: {  	s7 =	sld [smem:$0x3F9E]  }
0x1a: {  	s8 =	sadd.s32 $0xFFFFE003, lr  }
0x1b: {  	s9 =	sadd.s32 $0xFFFFFEF7, lr;
	s5 =	simm.s32 $0xFFFFFFFF;
	p2 =	slt.u32 s8, $0xFFFFF086  }
0x1c: {  	p1 =	slt.u32 s9, $0xF7A;
	s5 =	simm.s32 @!p2 $0x0  }
0x1d: {  	s5 =	simm.s32 @p1 $0x1;
	p0 =	seq.s32 s7, s2  }
0x1e: {  	s7 =	smul.u32 @!p0 $0xF7A, s2;
	p2 =	seq.s32 @!p0 s5, $0x0  }
0x1f: {  	s9 =	smul.u32 $0xF7A, s1;
	s8 =	simm.s32 @!p0 $0x1BF5;
	p2 =	por !p2, p0  }
0x20: {  	[sflag:s8] =	ssyncset.s32 @!p0 $0xFFFFF086;
	s6 =	sadd.s32 @!p0 s3, s7;
	s7 =	simm.s32 @!p0 $0x108  }
0x21: {  	s3 =	sadd.s32 s3, s9;
	s6 =	sadd.s32 @!p0 $0x88, s6;
	s7 =	simm.s32 @p2 $0x1082  }
0x22: {  	[simem:s7], [sflag:s8] =	dma.local @!p0 [hbm:s6], $0xF7A  }
0x23: {  	s9 =	sor.u32 $0xD0000000, s2;
	s6 =	simm.s32 $0x108;
	_ =	swait.ge @!p0 [sflag:s8], $0x0  }
0x24: {  	s3 =	sadd.s32 $0x88, s3;
	s6 =	simm.s32 @!p1 $0x1082;
	[sflag:s4] =	ssyncset.s32 $0xFFFFF086  }
0x25: {  	[simem:s6], [sflag:s4] =	dma.local [hbm:s3], $0xF7A  }
0x26: {  	[smem:$0x3F9E] =	sst s1;
	(tag) =	ssettag s2;
	_ =	strace s9  }
0x27: {  	s1 =	sld [smem:$0x3FAE]  }
0x28: {  	s2 =	sld [smem:$0x3FAF]  }
0x29: {  	s4 =	sld [smem:$0x3FB1]  }
0x2a: {  	p0 =	seq.s32 s5, $0x0;
	s5 =	sld [smem:$0x3FB2]  }
0x2b: {  	s6 =	sld [smem:$0x3FB3]  }
0x2c: {  	s7 =	sld [smem:$0x3FB4]  }
0x2d: {  	s3 =	simm.s32 $0x108;
	s8 =	sld [smem:$0x3FB5]  }
0x2e: {  	s3 =	simm.s32 @!p0 $0x1082;
	s9 =	sld [smem:$0x3FB6]  }
0x2f: {  	lr =	sadd.s32 s0, s3;
	s0 =	sld [smem:$0x3FAD]  }
0x30: {  	s3 =	sld [smem:$0x3FB0]  }
0x31: {  	[smem:$0x3FB9] =	sst s10  }
0x32: {  	s10 =	sld [smem:$0x3FB7];
	_ =	sdelay $0x3  }
0x33: {  	p0 =	seq.s32 s10, $0x1;
	s10 =	sld [smem:$0x3FB9];
	_ =	sdelay $0x3  }
0x34: {  	[smem:$0x3FB9] =	sst s10  }
0x35: {  	s10 =	sld [smem:$0x3FB8];
	_ =	sdelay $0x3  }
0x36: {  	p1 =	seq.s32 s10, $0x1;
	s10 =	sld [smem:$0x3FB9];
	_ =	sdelay $0x3  }
0x37: {  	[smem:$0x3FB9] =	sst s10  }
0x38: {  	s10 =	sld [smem:$0x3FBA]  }
0x39: {  	_ = 	snop;
	(pc) =	sbr.ind lr, $3  }
0x3a: {  	_ = 	snop  }
0x3b: {  	_ = 	snop  }
0x3c: {  	p2 =	seq.s32 s10, $0x1;
	s10 =	sld [smem:$0x3FB9]  }
0x3d: {  	_ =	shalt  }
0x3e: {  	_ =	shalt  }
0x3f: {  	_ =	shalt  }
0x40: {  	_ =	shalt  }
0x41: {  	_ =	shalt  }
0x42: {  	_ =	shalt  }
0x43: {  	_ =	shalt  }
0x44: {  	_ =	shalt  }
0x45: {  	_ =	shalt  }
0x46: {  	_ =	shalt  }
0x47: {  	_ =	shalt  }
0x48: {  	_ =	shalt  }
0x49: {  	_ =	shalt  }
0x4a: {  	_ =	shalt  }
0x4b: {  	_ =	shalt  }
0x4c: {  	_ =	shalt  }
0x4d: {  	_ =	shalt  }
0x4e: {  	_ =	shalt  }
0x4f: {  	_ =	shalt  }
0x50: {  	_ =	shalt  }
0x51: {  	_ =	shalt  }
0x52: {  	_ =	shalt  }
0x53: {  	_ =	shalt  }
0x54: {  	_ =	shalt  }
0x55: {  	_ =	shalt  }
0x56: {  	_ =	shalt  }
0x57: {  	_ =	shalt  }
0x58: {  	_ =	shalt  }
0x59: {  	_ =	shalt  }
0x5a: {  	_ =	shalt  }
0x5b: {  	_ =	shalt  }
0x5c: {  	_ =	shalt  }
0x5d: {  	_ =	shalt  }
0x5e: {  	_ =	shalt  }
0x5f: {  	_ =	shalt  }
0x60: {  	_ =	shalt  }
0x61: {  	_ =	shalt  }
0x62: {  	_ =	shalt  }
0x63: {  	_ =	shalt  }
0x64: {  	_ =	shalt  }
0x65: {  	_ =	shalt  }
0x66: {  	_ =	shalt  }
0x67: {  	_ =	shalt  }
0x68: {  	_ =	shalt  }
0x69: {  	_ =	shalt  }
0x6a: {  	_ =	shalt  }
0x6b: {  	_ =	shalt  }
0x6c: {  	_ =	shalt  }
0x6d: {  	_ =	shalt  }
0x6e: {  	_ =	shalt  }
0x6f: {  	_ =	shalt  }
0x70: {  	_ =	shalt  }
0x71: {  	_ =	shalt  }
0x72: {  	_ =	shalt  }
0x73: {  	_ =	shalt  }
0x74: {  	_ =	shalt  }
0x75: {  	_ =	shalt  }
0x76: {  	_ =	shalt  }
0x77: {  	_ =	shalt  }
0x78: {  	_ =	shalt  }
0x79: {  	_ =	shalt  }
0x7a: {  	_ =	shalt  }
0x7b: {  	_ =	shalt  }
0x7c: {  	_ =	shalt  }
0x7d: {  	_ =	shalt  }
0x7e: {  	_ =	shalt  }
0x7f: {  	_ =	shalt  }
0x80: {  	_ =	shalt  }
0x81: {  	_ =	shalt  }
0x82: {  	_ =	shalt  }
0x83: {  	_ =	shalt  }
0x84: {  	_ =	shalt  }
0x85: {  	_ =	shalt  }
0x86: {  	_ =	shalt  }
0x87: {  	_ =	shalt  }
.Lfunc_end0:
.L_simem_size_0:
called_computation_lowered:
.L_overlay_start_0:
0x88: {  	s2 =	sld [smem:$0x3FD9]  }
0x89: {  	s3 =	sld [smem:$0x3FFE];
	_ =	sdelay $0x1  }
0x8a: {  	s1 =	srdreg.scid  }
0x8b: {  	s0 =	sand.u32 $0x1, s1  }
0x8c: {  	s16 =	sshll.u32 s0, $0xA;
	s2 =	sadd.s32 s3, s2  }
0x8d: {  	s2 =	sadd.s32 s2, s16  }
0x8e: {  	[smem:$0x3FC5] =	sst s2  }
0x8f: {  	_ = 	snop  }
0x90: {  	(tm) =	ssettm $0x1  }
0x91: {  	s17 =	sld [smem:$0x3FFB];
	_ =	sdelay $0x3  }
0x92: {  	_ =	strace s17  }
0x93: {  	s2 =	sld [smem:$0x3FFC];
	_ =	sdelay $0x3  }
0x94: {  	_ =	strace s2  }
0x95: {  	s2 =	sld [smem:$0x3FFD];
	_ =	sdelay $0x3  }
0x96: {  	_ =	strace s2  }
0x97: {  	_ =	strace $0x8FFFFFFF  }
0x98: {  	s18 =	sld [smem:$0x3FDB];
	_ =	sdelay $0x1  }
0x99: {  	s19 =	simm.s32 $_scs_section_size  }
0x9a: {  	s4 =	simm.s32 $_size__tile_overlayer_lowered;
	s5 =	simm.s32 $_tile_overlayer_lowered  }
0x9b: {  	s22 =	simm.s32 $0x1BFF;
	s21 =	sshll.u32 s5, $0x1;
	s2 =	sadd.s32 s19, s18  }
0x9c: {  	s6 =	simm.s32 $0x0;
	s20 =	sshll.u32 s4, $0x1;
	s4 =	sadd.s32 s21, s2  }
0x9d: {  	[timem:s6], [sflag:s22] =	dma.local [hbm:s4], s20  }
0x9e: {  	_ =	swait.ge [sflag:s22], s20  }
0x9f: {  	s3 =	ssub.s32 $0x0, s20;
	[sflag:s22] =	ssyncset.done $0x0  }
0xa0: {  	[sflag:s22] =	ssyncadd.s32 s3;
	_ =	sdelay $0x1  }
0xa1: {  	s23 =	simm.s32 $0x1B8B  }
0xa2: {  	_ =	swait.ge [sflag:s23], $0x1  }
0xa3: {  	[sflag:s23] =	ssyncset.done $0x0  }
0xa4: {  	s25 =	simm.s32 $0x1B8E;
	s24 =	sld [smem:$0x3FFE];
	[sflag:s23] =	ssyncadd.s32 $0xFFFFFFFF  }
0xa5: {  	s26 =	simm.s32 $execute0_lowered;
	[smem:$0x3FD2] =	sst s25  }
0xa6: {  	s4 =	sshll.u32 s26, $0x1;
	_ =	strace $0x80000046;
	[dreg:$0x1] =	wrdreg $0xFFFFFFFF  }
0xa7: {  	s28 =	simm.s32 $_size_execute0_lowered;
	s2 =	sadd.s32 s2, s4;
	[dreg:$0x0] =	wrdreg $0x0  }
0xa8: {  	s4 =	sshll.u32 s28, $0x1;
	[dreg:$0x2] =	wrdreg s2  }
0xa9: {  	[dreg:$0x3] =	wrdreg s4  }
0xaa: {  	[dreg:$0x4] =	wrdreg $0xC0  }
0xab: {  	_ =	task [dreg:s6], $0x5FFFF  }
0xac: {  	[dreg:$0x1] =	wrdreg $0xFFFFFFFF  }
0xad: {  	[dreg:$0x0] =	wrdreg $0x60  }
0xae: {  	[dreg:$0x2] =	wrdreg s24  }
0xaf: {  	[dreg:$0x3] =	wrdreg $0x9  }
0xb0: {  	_ =	task.clear_ibuf [dreg:s6], $0x4FFFF;
	_ =	strace $0x90000046  }
0xb1: {  	s29 =	simm.s32 $0x9;
	_ =	strace $0x80000048  }
0xb2: {  	_ =	swait.ge [sflag:s29], $0x1  }
0xb3: {  	[sflag:s29] =	ssyncadd.s32 $0xFFFFFFFF  }
0xb4: {  	_ =	strace $0x90000048  }
0xb5: {  	_ =	sfence  }
0xb6: {  	s30 =	sld [smem:$0x0];
	_ =	sdelay $0x2  }
0xb7: {  	s31 =	sshll.u32 s1, $0xD;
	s1 =	sshrl.u32 s1, $0x2  }
0xb8: {  	s3 =	sand.u32 $0x4000, s31;
	s1 =	sadd.s32 s1, s30  }
0xb9: {  	s0 =	sor.u32 s3, s0;
	s1 =	sshll.u32 s1, $0x11  }
0xba: {  	s0 =	sor.u32 s1, s0  }
0xbb: {  	s0 =	sadd.s32 $0x8F2B, s0  }
0xbc: {  	[sflag:s0] =	ssyncadd.remote.s32 $0x1  }
0xbd: {  	_ =	sfence.sel $0xFFFF  }
0xbe: {  	[dreg:$0x0] =	wrdreg $0xFFFFFFFF;
	(pc) =	sbr.abs _section_cstart, $3  }
0xbf: {  	[dreg:$0x1] =	wrdreg $0xFFFFFFFF  }
0xc0: {  	_ =	task.clear_ibuf [dreg:s6], $0x2FFFF;
	_ =	strace $0x9FFFFFFF  }
0xc1: {  	(tm) =	ssettm $0x7FFFFFFF  }
tec
execute0_lowered:
.L_overlay_start_1:
0x0: {  	(tag) =	ssettag $0x1  }
0x1: {  	s3 =	rddreg [dreg:$0x0]  }
0x2: {  	s0 =	rddreg [dreg:$0x1]  }
0x3: {  	s2 =	simm.s32 $0x0;
	s4 =	srdreg.scid;
	s1 =	stileid.u32  }
0x4: {  	s8 =	simm.s32 $0x80;
	s9 =	simm.s32 $0x400;
	s10 =	simm.s32 $0x0  }
0x5: {  	[smem:$0x7FF] =	sst s2;
	s4 =	sand.u32 $0x1, s4;
	s5 =	sshll.u32 s1, $0x1  }
0x6: {  	s6 =	sshll.u32 s1, $0xC;
	_ =	strace $0x80000047;
	s5 =	sor.u32 s4, s5  }
0x7: {  	s6 =	sand.u32 $0xC000, s6;
	s4 =	ssub.s32 $0x2, s4;
	s7 =	sshll.u32 s5, $0xB  }
0x8: {  	s5 =	sshll.u32 s5, $0x4;
	s6 =	sadd.s32 s6, s3;
	s30 =	sshrl.u32 s4, $0x1  }
0x9: {  	s5 =	sand.u32 $0x70, s5;
	s3 =	sadd.s32 s7, s3;
	s31 =	ssub.s32 s4, s30  }
0xa: {  	s7 =	simm.s32 $0x4000;
	s5 =	sadd.s32 s5, s6;
	s3 =	sadd.s32 $0xA00, s3  }
0xb: {  	v0 =	vimm.f32 $0.0e+00;
	v1 =	vimm.f32 $1.000000000e+00;
	s6 =	simm.s32 $0x1;
	s4 =	sadd.s32 $0x10A00, s5;
	s5 =	smax.u32 s31, $0x1  }
.LBB2_1:
0xc: {  	[tilespmem:s2], [sflag:$0x1] =	stream.linear.gather [hbm4b:s3+s2], $0x4000, $0x38;
	[tilespmem:$0x8000] =	vst v63  }
0xd: {  	_ =	swait.ge [sflag:s6], $0x4000  }
0xe: {  	[sflag:s6] =	ssyncset.done $0x0  }
0xf: {  	s12 =	simm.s32 $0x4040;
	[sflag:s6] =	ssyncadd.s32 $0xFFFFC000  }
0x10: {  	[tilespmem:s12+$0xFFFFFFC0] =	vst v0  }
0x11: {  	[tilespmem:s12+$0x30] =	vst v0  }
0x12: {  	[tilespmem:s12+$0x20] =	vst v0  }
0x13: {  	[tilespmem:s12+$0x10] =	vst v0  }
0x14: {  	[tilespmem:s12+$0x0] =	vst v0  }
0x15: {  	[tilespmem:s12+$0xFFFFFFF0] =	vst v0  }
0x16: {  	s13 =	simm.s32 $0x0;
	[tilespmem:s12+$0xFFFFFFE0] =	vst v0  }
.LBB2_2:
0x17: {  	s13 =	sadd.s32 $0x8, s13;
	[tilespmem:s12+$0xFFFFFFD0] =	vst v0;
	s12 =	sadd.s32 $0x80, s12;
	s11 =	simm.s32 $0x40  }
0x18: {  	[tilespmem:s12+$0xFFFFFFC0] =	vst v0;
	p0 =	slt.u32 s13, $0x3F8  }
0x19: {  	[tilespmem:s12+$0x30] =	vst v0  }
.Ltmp0:
0x1a: {  	[tilespmem:s12+$0x20] =	vst v0;
	(pc) =	sbr.rel @p0 .LBB2_2-.Ltmp0, $4  }
0x1b: {  	[tilespmem:s12+$0x10] =	vst v0  }
0x1c: {  	[tilespmem:s12+$0x0] =	vst v0  }
0x1d: {  	[tilespmem:s12+$0xFFFFFFF0] =	vst v0  }
0x1e: {  	[tilespmem:s12+$0xFFFFFFE0] =	vst v0  }
0x1f: {  	[tilespmem:s12+$0xFFFFFFD0] =	vst v0  }
0x20: {  	v3 =	vld [tilespmem:s11+$0xFFFFFFC0]  }
0x21: {  	v4 =	vld [tilespmem:s11+$0x30]  }
0x22: {  	v5 =	vld [tilespmem:s11+$0x20]  }
0x23: {  	v6 =	vld [tilespmem:s11+$0x10]  }
0x24: {  	v7 =	vld [tilespmem:s11+$0x0]  }
0x25: {  	v8 =	vld [tilespmem:s11+$0xFFFFFFF0]  }
0x26: {  	v9 =	vld [tilespmem:s11+$0xFFFFFFE0]  }
0x27: {  	v2 =	vld [tilespmem:s11+$0xFFFFFFD0]  }
0x28: {  	[tilespmem:v3+s7+$0x0] =	vst.idx.add.f32.msk $0xffff, v1  }
0x29: {  	[tilespmem:v4+s7+$0x0] =	vst.idx.add.f32.msk $0xffff, v1  }
0x2a: {  	[tilespmem:v5+s7+$0x0] =	vst.idx.add.f32.msk $0xffff, v1  }
0x2b: {  	[tilespmem:v6+s7+$0x0] =	vst.idx.add.f32.msk $0xffff, v1  }
0x2c: {  	[tilespmem:v7+s7+$0x0] =	vst.idx.add.f32.msk $0xffff, v1  }
0x2d: {  	[tilespmem:v8+s7+$0x0] =	vst.idx.add.f32.msk $0xffff, v1  }
0x2e: {  	s12 =	simm.s32 $0x0;
	[tilespmem:v9+s7+$0x0] =	vst.idx.add.f32.msk $0xffff, v1  }
.LBB2_4:
0x2f: {  	s12 =	sadd.s32 $0x8, s12;
	[tilespmem:v2+s7+$0x0] =	vst.idx.add.f32.msk $0xffff, v1;
	s11 =	sadd.s32 $0x80, s11  }
0x30: {  	v3 =	vld [tilespmem:s11+$0xFFFFFFC0];
	p0 =	slt.u32 s12, $0x3F8  }
0x31: {  	v4 =	vld [tilespmem:s11+$0x30]  }
0x32: {  	v5 =	vld [tilespmem:s11+$0x20]  }
0x33: {  	v6 =	vld [tilespmem:s11+$0x10]  }
0x34: {  	v7 =	vld [tilespmem:s11+$0x0]  }
0x35: {  	v8 =	vld [tilespmem:s11+$0xFFFFFFF0]  }
0x36: {  	v9 =	vld [tilespmem:s11+$0xFFFFFFE0]  }
0x37: {  	v2 =	vld [tilespmem:s11+$0xFFFFFFD0]  }
0x38: {  	[tilespmem:v3+s7+$0x0] =	vst.idx.add.f32.msk $0xffff, v1  }
0x39: {  	[tilespmem:v4+s7+$0x0] =	vst.idx.add.f32.msk $0xffff, v1  }
.Ltmp1:
0x3a: {  	[tilespmem:v5+s7+$0x0] =	vst.idx.add.f32.msk $0xffff, v1;
	(pc) =	sbr.rel @p0 .LBB2_4-.Ltmp1, $4  }
0x3b: {  	[tilespmem:v6+s7+$0x0] =	vst.idx.add.f32.msk $0xffff, v1  }
0x3c: {  	[tilespmem:v7+s7+$0x0] =	vst.idx.add.f32.msk $0xffff, v1  }
0x3d: {  	[tilespmem:v8+s7+$0x0] =	vst.idx.add.f32.msk $0xffff, v1  }
0x3e: {  	[tilespmem:v9+s7+$0x0] =	vst.idx.add.f32.msk $0xffff, v1  }
0x3f: {  	_ =	sdelay $0x1  }
0x40: {  	s10 =	sadd.s32 $0x1, s10  }
0x41: {  	p0 =	sne.s32 s10, s5  }
.Ltmp2:
0x42: {  	[tilespmem:v2+s7+$0x0] =	vst.idx.add.f32.msk $0xffff, v1;
	(pc) =	sbr.rel @p0 .LBB2_1-.Ltmp2, $4  }
0x43: {  	[hbm4b:s4+s8] =	stream.strided.scatter [tilespmem:s7], [sflag:$0x1], $0x4000, s9, s8, $0x38;
	[tilespmem:$0x8000] =	vst v63  }
0x44: {  	_ =	swait.ge [sflag:s6], $0x4000  }
0x45: {  	[sflag:s6] =	ssyncset.done $0x0  }
0x46: {  	[sflag:s6] =	ssyncadd.s32 $0xFFFFC000  }
0x47: {  	_ =	sfence.sel $0x180000  }
0x48: {  	[bflag:$0x0] =	sbarrier.arrive $0xFFFF  }
0x49: {  	p0 =	sne.s32 s1, $0x0;
	_ =	strace $0x90000047  }
0x4a: {  	s0 =	sadd.s32 @!p0 $0x100000, s0;
	[bflag:$0x2] =	sbarrier.arrive $0xFFFF  }
0x4b: {  	[sflag:s0] =	ssyncadd.tile.s32 @!p0 $0x1;
	_ =	shalt  }
.Lfunc_end2:
_tile_overlayer_lowered:
.L_overlay_start_2:
0x4c: {  	(tag) =	ssettag $0x2  }
0x4d: {  	s0 =	rddreg [dreg:$0x0];
	s2 =	stileid.u32  }
0x4e: {  	s1 =	rddreg [dreg:$0x1];
	p0 =	sne.s32 s2, $0x0  }
0x4f: {  	s3 =	rddreg [dreg:$0x2];
	[bflag:$0x3] =	sbarrier.arrive $0xFFFF;
	s2 =	simm.s32 @!p0 $0x1C01  }
0x50: {  	[timem:s3], [sflag:s2] =	dma.local @!p0 [hbm:s0], s1  }
0x51: {  	s0 =	simm.s32 @!p0 $0x1  }
0x52: {  	_ =	swait.ge @!p0 [sflag:s0], s1  }
0x53: {  	s1 =	ssub.s32 @!p0 $0x0, s1;
	[sflag:s0] =	ssyncset.done @!p0 $0x0  }
0x54: {  	[sflag:s0] =	ssyncadd.s32 @!p0 s1  }
0x55: {  	[bflag:$0x3] =	sbarrier.arrive $0xFFFF  }
0x56: {  	_ =	shalt  }

</sc_bundles>
